<compile_context>
chip_gen: v7x
topology: tpu7x:2x2x1
jax: 0.10.2.dev20260603
libtpu: 0.0.44.dev20260713+nightly
codegen_flags: <defaults>
</compile_context>

<pallas_src>
import functools

import jax
import jax.numpy as jnp
from jax import lax
from jax.experimental import pallas as pl
from jax.experimental.pallas import tpu as pltpu
from jax.experimental.pallas import tpu_sc as plsc

_N = 10000
_E = 320000
_NT = 16
_EPW = _E // _NT
_SLICE = 640
_NPAD = _NT * _SLICE
_L = 16

_HI = jax.lax.Precision.HIGHEST


def _rsqrt16(x):
    i = plsc.bitcast(x, jnp.int32)
    i = jnp.int32(0x5F3759DF) - lax.shift_right_logical(i, 1)
    y = plsc.bitcast(i, jnp.float32)
    for _ in range(4):
        y = y * (1.5 - 0.5 * x * y * y)
    return y


def _sc_body(edge_hbm, w_hbm, s1_hbm,
             src_v, dst_v, acc_v, dinv_v, u_v, comb_v, stage_v, s1_v,
             shacc, shtbl):
    wid = lax.axis_index("s")
    ebase = wid * _EPW
    nbase = wid * _SLICE

    pltpu.sync_copy(edge_hbm.at[pl.ds(ebase, _EPW)], src_v)
    pltpu.sync_copy(edge_hbm.at[pl.ds(_E + ebase, _EPW)], dst_v)

    zeros16 = jnp.zeros((_L,), jnp.float32)
    ones16 = jnp.ones((_L,), jnp.float32)
    lane = lax.broadcasted_iota(jnp.int32, (_L,), 0)

    def zero_acc():
        def zbody(i, _):
            for u in range(8):
                acc_v[pl.ds(i * (8 * _L) + u * _L, _L)] = zeros16
            return ()
        lax.fori_loop(0, _NPAD // (8 * _L), zbody, ())

    def edge_pass(gather_tbl):
        def ebody(i, _):
            base = i * (5 * _L)
            for u in range(5):
                off = base + u * _L
                d = dst_v[pl.ds(off, _L)]
                vals = plsc.load_gather(gather_tbl, [d])
                s = src_v[pl.ds(off, _L)]
                plsc.addupdate_scatter(acc_v, [s], vals)
            return ()
        lax.fori_loop(0, _EPW // (5 * _L), ebody, ())

    def combine_rows():
        pltpu.sync_copy(shacc.at[:, pl.ds(nbase, _SLICE)], comb_v)

    def comb_chunk(j):
        t = comb_v[0, pl.ds(j * _L, _L)]
        for k in range(1, _NT):
            t = t + comb_v[k, pl.ds(j * _L, _L)]
        return t

    zero_acc()

    def deg_body(i, _):
        base = i * (5 * _L)
        for u in range(5):
            d = dst_v[pl.ds(base + u * _L, _L)]
            plsc.addupdate_scatter(acc_v, [d], ones16)
        return ()
    lax.fori_loop(0, _EPW // (5 * _L), deg_body, ())

    pltpu.sync_copy(acc_v, shacc.at[wid])
    plsc.subcore_barrier()

    combine_rows()

    def dinv_body(j, _):
        deg = comb_chunk(j) + 1.0
        deg = jnp.maximum(deg, 1.0)
        stage_v[pl.ds(j * _L, _L)] = _rsqrt16(deg)
        return ()
    lax.fori_loop(0, _SLICE // _L, dinv_body, ())

    pltpu.sync_copy(stage_v, shtbl.at[pl.ds(nbase, _SLICE)])
    plsc.subcore_barrier()
    pltpu.sync_copy(shtbl, dinv_v)

    zero_acc()
    edge_pass(dinv_v)
    pltpu.sync_copy(acc_v, shacc.at[wid])
    plsc.subcore_barrier()

    combine_rows()
    s1_v[...] = zeros16

    def v_body(j, _):
        a = comb_chunk(j)
        dv = dinv_v[pl.ds(nbase + j * _L, _L)]
        v = dv * (dv + a)
        gidx = nbase + j * _L + lane
        v = jnp.where(gidx < _N, v, 0.0)
        s1_v[...] = s1_v[...] + v
        stage_v[pl.ds(j * _L, _L)] = dv * v
        return ()
    lax.fori_loop(0, _SLICE // _L, v_body, ())

    pltpu.sync_copy(s1_v, s1_hbm.at[wid])
    pltpu.sync_copy(stage_v, shtbl.at[pl.ds(nbase, _SLICE)])
    plsc.subcore_barrier()
    pltpu.sync_copy(shtbl, u_v)

    zero_acc()
    edge_pass(u_v)
    pltpu.sync_copy(acc_v, shacc.at[wid])
    plsc.subcore_barrier()

    combine_rows()

    def w_body(j, _):
        a = comb_chunk(j)
        dv = dinv_v[pl.ds(nbase + j * _L, _L)]
        u = u_v[pl.ds(nbase + j * _L, _L)]
        w = dv * (u + a)
        gidx = nbase + j * _L + lane
        w = jnp.where(gidx < _N, w, 0.0)
        stage_v[pl.ds(j * _L, _L)] = w
        return ()
    lax.fori_loop(0, _SLICE // _L, w_body, ())

    pltpu.sync_copy(stage_v, w_hbm.at[pl.ds(nbase, _SLICE)])


def _sc_edge_kernel(edge_index):
    return pl.kernel(
        _sc_body,
        out_type=(
            jax.ShapeDtypeStruct((_NPAD,), jnp.float32),
            jax.ShapeDtypeStruct((_NT, _L), jnp.float32),
        ),
        mesh=plsc.VectorSubcoreMesh(
            core_axis_name="c", subcore_axis_name="s",
            num_cores=1, num_subcores=_NT,
        ),
        scratch_types=[
            pltpu.VMEM((_EPW,), jnp.int32),
            pltpu.VMEM((_EPW,), jnp.int32),
            pltpu.VMEM((_NPAD,), jnp.float32),
            pltpu.VMEM((_NPAD,), jnp.float32),
            pltpu.VMEM((_NPAD,), jnp.float32),
            pltpu.VMEM((_NT, _SLICE), jnp.float32),
            pltpu.VMEM((_SLICE,), jnp.float32),
            pltpu.VMEM((_L,), jnp.float32),
            pltpu.VMEM_SHARED((_NT, _NPAD), jnp.float32),
            pltpu.VMEM_SHARED((_NPAD,), jnp.float32),
        ],
        compiler_params=pltpu.CompilerParams(needs_layout_passes=False),
    )(edge_index)


def _tc_body(wv_ref, x_ref, s1_ref, state_ref, act_ref,
             wg1_ref, bg1_ref, wg2_ref, bg2_ref,
             wa0s_ref, wa0g_ref, ba0_ref, wa1_ref, ba1_ref, wa2_ref, ba2_ref,
             wc0s_ref, wc0g_ref, bc0_ref, wc1_ref, bc1_ref, wc2_ref, bc2_ref,
             alp_ref, sv_ref, ent_ref):
    r = jnp.dot(wv_ref[...], x_ref[...], precision=_HI)
    s1 = jnp.sum(s1_ref[...])
    t = jnp.dot(r, wg1_ref[...], precision=_HI) + s1 * bg1_ref[...]
    g = jnp.dot(t, wg2_ref[...], precision=_HI) * (1.0 / _N) + bg2_ref[...]

    state = state_ref[...]

    def head(ws_ref, wg_ref, b0_ref, w1_ref, b1_ref, w2_ref, b2_ref):
        pre = (jnp.dot(state, ws_ref[...], precision=_HI)
               + jnp.dot(g, wg_ref[...], precision=_HI) + b0_ref[...])
        y = jnp.tanh(pre)
        y = jnp.tanh(jnp.dot(y, w1_ref[...], precision=_HI) + b1_ref[...])
        return jnp.dot(y, w2_ref[...], precision=_HI) + b2_ref[...]

    logits = head(wa0s_ref, wa0g_ref, ba0_ref, wa1_ref, ba1_ref,
                  wa2_ref, ba2_ref)
    m = jnp.max(logits, axis=1, keepdims=True)
    ex = jnp.exp(logits - m)
    se = jnp.sum(ex, axis=1, keepdims=True)
    logp = logits - m - jnp.log(se)
    onehot = lax.broadcasted_iota(jnp.int32, logits.shape, 1) == act_ref[...]
    alp_ref[...] = jnp.sum(jnp.where(onehot, logp, 0.0), axis=1, keepdims=True)
    probs = ex / se
    ent_ref[...] = -jnp.sum(probs * logp, axis=1, keepdims=True)

    sv_ref[...] = head(wc0s_ref, wc0g_ref, bc0_ref, wc1_ref, bc1_ref,
                       wc2_ref, bc2_ref)


def kernel(state, action, x, edge_index, W_g1, b_g1, W_g2, b_g2,
           Wa0, ba0, Wa1, ba1, Wa2, ba2, Wc0, bc0, Wc1, bc1, Wc2, bc2):
    w_pad, s1p = _sc_edge_kernel(edge_index.reshape(-1))
    wv = w_pad[:_N].reshape(1, _N)

    B = state.shape[0]
    ACT = Wa2.shape[1]
    STATE = state.shape[1]

    out_shapes = (
        jax.ShapeDtypeStruct((B, 1), jnp.float32),
        jax.ShapeDtypeStruct((B, 1), jnp.float32),
        jax.ShapeDtypeStruct((B, 1), jnp.float32),
    )
    alp, sv, ent = pl.pallas_call(_tc_body, out_shape=out_shapes)(
        wv, x, s1p, state, action.reshape(B, 1),
        W_g1, b_g1.reshape(1, -1), W_g2, b_g2.reshape(1, -1),
        Wa0[:STATE], Wa0[STATE:], ba0.reshape(1, -1), Wa1, ba1.reshape(1, -1),
        Wa2, ba2.reshape(1, -1),
        Wc0[:STATE], Wc0[STATE:], bc0.reshape(1, -1), Wc1, bc1.reshape(1, -1),
        Wc2, bc2.reshape(1, -1),
    )
    return alp[:, 0], sv, ent[:, 0]

# --- scband reference (transcript-rebuilt; emitter-appended) ---
"""Pipeline reference for scband-actor-critic-2113123910276 (READ-ONLY COPY).

The authoritative reference and input builder live on the scoring server;
editing this copy changes nothing except your own understanding.
"""

import jax, jax.numpy as jnp
import numpy as np

N = 10000
E = 320000
D_IN = 128
H1 = 64
H2 = 128
STATE = 128
EMB = 256
ACT = 48
B = 1024


def _lin_init(key, fan_in, fan_out):
    kw, kb = jax.random.split(key)
    bound = 1.0 / np.sqrt(fan_in)
    W = jax.random.uniform(kw, (fan_in, fan_out), minval=-bound, maxval=bound, dtype=jnp.float32)
    b = jax.random.uniform(kb, (fan_out,), minval=-bound, maxval=bound, dtype=jnp.float32)
    return W, b


def setup_inputs(seed: int = 0) -> dict:
    key = jax.random.key(seed)
    ks = jax.random.split(key, 12)
    state = jax.random.normal(ks[0], (B, STATE), dtype=jnp.float32)
    action = jax.random.randint(ks[1], (B,), 0, ACT, dtype=jnp.int32)
    x = jax.random.normal(ks[2], (N, D_IN), dtype=jnp.float32)
    edge_index = jax.random.randint(ks[3], (2, E), 0, N, dtype=jnp.int32)
    W_g1, b_g1 = _lin_init(ks[4], D_IN, H1)
    W_g2, b_g2 = _lin_init(ks[5], H1, H2)
    Wa0, ba0 = _lin_init(ks[6], STATE + H2, EMB)
    Wa1, ba1 = _lin_init(ks[7], EMB, EMB)
    Wa2, ba2 = _lin_init(ks[8], EMB, ACT)
    Wc0, bc0 = _lin_init(ks[9], STATE + H2, EMB)
    Wc1, bc1 = _lin_init(ks[10], EMB, EMB)
    Wc2, bc2 = _lin_init(ks[11], EMB, 1)
    return {"state": state, "action": action, "x": x, "edge_index": edge_index,
            "W_g1": W_g1, "b_g1": b_g1, "W_g2": W_g2, "b_g2": b_g2,
            "Wa0": Wa0, "ba0": ba0, "Wa1": Wa1, "ba1": ba1, "Wa2": Wa2, "ba2": ba2,
            "Wc0": Wc0, "bc0": bc0, "Wc1": Wc1, "bc1": bc1, "Wc2": Wc2, "bc2": bc2}


def _sgconv(h, src, dst, dinv, W, b):
    # SGConv k=1: sym-normalized propagation D^-1/2 A D^-1/2 then linear
    h = h * dinv[:, None]
    msg = h[src]
    agg = jax.ops.segment_sum(msg, dst, num_segments=N)
    agg = agg * dinv[:, None]
    return agg @ W + b


def reference(state, action, x, edge_index,
              W_g1, b_g1, W_g2, b_g2,
              Wa0, ba0, Wa1, ba1, Wa2, ba2,
              Wc0, bc0, Wc1, bc1, Wc2, bc2):
    # add self loops (dgl.add_self_loop)
    loops = jnp.arange(N, dtype=edge_index.dtype)
    e = jnp.concatenate([edge_index, jnp.stack([loops, loops])], axis=1)
    src, dst = e[0], e[1]
    deg = jax.ops.segment_sum(jnp.ones((e.shape[1],), jnp.float32), dst, num_segments=N)
    deg = jnp.clip(deg, 1.0, None)
    dinv = 1.0 / jnp.sqrt(deg)
    h = _sgconv(x, src, dst, dinv, W_g1, b_g1)
    h = _sgconv(h, src, dst, dinv, W_g2, b_g2)
    g = jnp.mean(h, axis=0)  # AvgPooling over nodes
    act_in = jnp.concatenate([state, jnp.broadcast_to(g, (state.shape[0], g.shape[0]))], axis=1)
    # actor (ACFF, soft)
    ya = jnp.tanh(act_in @ Wa0 + ba0)
    ya = jnp.tanh(ya @ Wa1 + ba1)
    logits = ya @ Wa2 + ba2
    logp_all = jax.nn.log_softmax(logits, axis=-1)
    probs = jnp.exp(logp_all)
    action_logprobs = jnp.take_along_axis(logp_all, action[:, None].astype(jnp.int32), axis=1)[:, 0]
    dist_entropy = -jnp.sum(probs * logp_all, axis=-1)
    # critic (ACFF, no softmax)
    yc = jnp.tanh(act_in @ Wc0 + bc0)
    yc = jnp.tanh(yc @ Wc1 + bc1)
    state_values = yc @ Wc2 + bc2
    return (action_logprobs, state_values, dist_entropy)

if __name__ == "__main__":
    import jax
    _d = setup_inputs()
    print(jax.jit(kernel)(*tuple(_d.values())))

</pallas_src>

<mosaic_0001>
#map = affine_map<(d0, d1) -> (0)>
#map1 = affine_map<(d0, d1) -> (0, 0)>
module attributes {stable_mosaic.version = 14 : i64} {
  func.func @_sc_body(%arg0: i32, %arg1: i32, %arg2: memref<640000xi32, #tpu.memory_space<hbm>>, %arg3: memref<10240xf32, #tpu.memory_space<hbm>>, %arg4: memref<16x16xf32, #tpu.memory_space<hbm>>, %arg5: memref<20000xi32, #tpu.memory_space<vmem>>, %arg6: memref<20000xi32, #tpu.memory_space<vmem>>, %arg7: memref<10240xf32, #tpu.memory_space<vmem>>, %arg8: memref<10240xf32, #tpu.memory_space<vmem>>, %arg9: memref<10240xf32, #tpu.memory_space<vmem>>, %arg10: memref<16x640xf32, #tpu.memory_space<vmem>>, %arg11: memref<640xf32, #tpu.memory_space<vmem>>, %arg12: memref<16xf32, #tpu.memory_space<vmem>>, %arg13: memref<16x10240xf32, #tpu.memory_space<vmem_shared>>, %arg14: memref<10240xf32, #tpu.memory_space<vmem_shared>>) attributes {dimension_semantics = [#tpu.dimension_semantics<core_parallel>, #tpu.dimension_semantics<subcore_parallel>], iteration_bounds = array<i64: 1, 16>, scalar_prefetch = 0 : i64, scratch_operands = 10 : i64, tpu.core_type = #tpu.core_type<sc_vector_subcore>, window_params = [{transform_indices = #map}, {transform_indices = #map}, {transform_indices = #map1}]} {
    %mul3A = arith.constant 20000 : i32
    %mul3A_0 = arith.muli %arg1, %mul3A : i32
    %mul3A_1 = arith.constant 640 : i32
    %mul3A_2 = arith.muli %arg1, %mul3A_1 : i32
    "tpu.region"() ({
      %run_scoped3A = tpu.sem_alloc : memref<!tpu.dma_semaphore, #tpu.memory_space<semaphore_mem>>
      %dma_start3A = tpu.memref_slice %arg2[%mul3A_0] : memref<640000xi32, #tpu.memory_space<hbm>> -> memref<20000xi32, #tpu.memory_space<hbm>>
      %dma_start3A_56 = tpu.memref_slice %arg2[%mul3A_0] : memref<640000xi32, #tpu.memory_space<hbm>> -> memref<20000xi32, #tpu.memory_space<hbm>>
      tpu.enqueue_dma source(%dma_start3A_56 : memref<20000xi32, #tpu.memory_space<hbm>>) target(%arg5 : memref<20000xi32, #tpu.memory_space<vmem>>) target_semaphore(%run_scoped3A : memref<!tpu.dma_semaphore, #tpu.memory_space<semaphore_mem>>)
      %dma_wait3A = tpu.memref_slice %arg2[%mul3A_0] : memref<640000xi32, #tpu.memory_space<hbm>> -> memref<20000xi32, #tpu.memory_space<hbm>>
      %dma_wait3A_57 = tpu.memref_slice %arg2[%mul3A_0] : memref<640000xi32, #tpu.memory_space<hbm>> -> memref<20000xi32, #tpu.memory_space<hbm>>
      tpu.wait_dma2 semaphore(%run_scoped3A : memref<!tpu.dma_semaphore, #tpu.memory_space<semaphore_mem>>) src(%dma_wait3A_57 : memref<20000xi32, #tpu.memory_space<hbm>>) dst(%arg5 : memref<20000xi32, #tpu.memory_space<vmem>>)
      tpu.yield
    }) : () -> ()
    %add3A = arith.constant 320000 : i32
    %add3A_3 = arith.addi %add3A, %mul3A_0 : i32
    "tpu.region"() ({
      %run_scoped3A = tpu.sem_alloc : memref<!tpu.dma_semaphore, #tpu.memory_space<semaphore_mem>>
      %dma_start3A = tpu.memref_slice %arg2[%add3A_3] : memref<640000xi32, #tpu.memory_space<hbm>> -> memref<20000xi32, #tpu.memory_space<hbm>>
      %dma_start3A_56 = tpu.memref_slice %arg2[%add3A_3] : memref<640000xi32, #tpu.memory_space<hbm>> -> memref<20000xi32, #tpu.memory_space<hbm>>
      tpu.enqueue_dma source(%dma_start3A_56 : memref<20000xi32, #tpu.memory_space<hbm>>) target(%arg6 : memref<20000xi32, #tpu.memory_space<vmem>>) target_semaphore(%run_scoped3A : memref<!tpu.dma_semaphore, #tpu.memory_space<semaphore_mem>>)
      %dma_wait3A = tpu.memref_slice %arg2[%add3A_3] : memref<640000xi32, #tpu.memory_space<hbm>> -> memref<20000xi32, #tpu.memory_space<hbm>>
      %dma_wait3A_57 = tpu.memref_slice %arg2[%add3A_3] : memref<640000xi32, #tpu.memory_space<hbm>> -> memref<20000xi32, #tpu.memory_space<hbm>>
      tpu.wait_dma2 semaphore(%run_scoped3A : memref<!tpu.dma_semaphore, #tpu.memory_space<semaphore_mem>>) src(%dma_wait3A_57 : memref<20000xi32, #tpu.memory_space<hbm>>) dst(%arg6 : memref<20000xi32, #tpu.memory_space<vmem>>)
      tpu.yield
    }) : () -> ()
    %broadcast_in_dim3A = arith.constant 0.000000e+00 : f32
    %broadcast_in_dim3A_4 = vector.broadcast %broadcast_in_dim3A : f32 to vector<16xf32>
    %broadcast_in_dim3A_5 = arith.constant 1.000000e+00 : f32
    %broadcast_in_dim3A_6 = vector.broadcast %broadcast_in_dim3A_5 : f32 to vector<16xf32>
    %iota3A = tpu.iota {dimensions = array<i32: 0>} : vector<16xi32>
    %scan3A = arith.constant 0 : i32
    %scan3A_7 = arith.constant 80 : i32
    %scan3A_8 = arith.addi %scan3A, %scan3A_7 : i32
    %scan3A_9 = arith.constant 1 : i32
    scf.for %scan3A_56 = %scan3A to %scan3A_8 step %scan3A_9  : i32 {
      %mul3A_57 = arith.constant 128 : i32
      %mul3A_58 = arith.muli %scan3A_56, %mul3A_57 : i32
      %add3A_59 = arith.constant 0 : i32
      %add3A_60 = arith.addi %mul3A_58, %add3A_59 : i32
      %swap3A_61 = arith.index_cast %add3A_60 : i32 to index
      %swap3A_62 = tpu.vector_load %arg7[%swap3A_61] {strides = array<i32>} : memref<10240xf32, #tpu.memory_space<vmem>>, vector<16xf32>,
      tpu.vector_store %arg7[%swap3A_61], %broadcast_in_dim3A_4 {strides = array<i32>} : memref<10240xf32, #tpu.memory_space<vmem>>, vector<16xf32>,
      %mul3A_63 = arith.constant 128 : i32
      %mul3A_64 = arith.muli %scan3A_56, %mul3A_63 : i32
      %add3A_65 = arith.constant 16 : i32
      %add3A_66 = arith.addi %mul3A_64, %add3A_65 : i32
      %swap3A_67 = arith.index_cast %add3A_66 : i32 to index
      %swap3A_68 = tpu.vector_load %arg7[%swap3A_67] {strides = array<i32>} : memref<10240xf32, #tpu.memory_space<vmem>>, vector<16xf32>,
      tpu.vector_store %arg7[%swap3A_67], %broadcast_in_dim3A_4 {strides = array<i32>} : memref<10240xf32, #tpu.memory_space<vmem>>, vector<16xf32>,
      %mul3A_69 = arith.constant 128 : i32
      %mul3A_70 = arith.muli %scan3A_56, %mul3A_69 : i32
      %add3A_71 = arith.constant 32 : i32
      %add3A_72 = arith.addi %mul3A_70, %add3A_71 : i32
      %swap3A_73 = arith.index_cast %add3A_72 : i32 to index
      %swap3A_74 = tpu.vector_load %arg7[%swap3A_73] {strides = array<i32>} : memref<10240xf32, #tpu.memory_space<vmem>>, vector<16xf32>,
      tpu.vector_store %arg7[%swap3A_73], %broadcast_in_dim3A_4 {strides = array<i32>} : memref<10240xf32, #tpu.memory_space<vmem>>, vector<16xf32>,
      %mul3A_75 = arith.constant 128 : i32
      %mul3A_76 = arith.muli %scan3A_56, %mul3A_75 : i32
      %add3A_77 = arith.constant 48 : i32
      %add3A_78 = arith.addi %mul3A_76, %add3A_77 : i32
      %swap3A_79 = arith.index_cast %add3A_78 : i32 to index
      %swap3A_80 = tpu.vector_load %arg7[%swap3A_79] {strides = array<i32>} : memref<10240xf32, #tpu.memory_space<vmem>>, vector<16xf32>,
      tpu.vector_store %arg7[%swap3A_79], %broadcast_in_dim3A_4 {strides = array<i32>} : memref<10240xf32, #tpu.memory_space<vmem>>, vector<16xf32>,
      %mul3A_81 = arith.constant 128 : i32
      %mul3A_82 = arith.muli %scan3A_56, %mul3A_81 : i32
      %add3A_83 = arith.constant 64 : i32
      %add3A_84 = arith.addi %mul3A_82, %add3A_83 : i32
      %swap3A_85 = arith.index_cast %add3A_84 : i32 to index
      %swap3A_86 = tpu.vector_load %arg7[%swap3A_85] {strides = array<i32>} : memref<10240xf32, #tpu.memory_space<vmem>>, vector<16xf32>,
      tpu.vector_store %arg7[%swap3A_85], %broadcast_in_dim3A_4 {strides = array<i32>} : memref<10240xf32, #tpu.memory_space<vmem>>, vector<16xf32>,
      %mul3A_87 = arith.constant 128 : i32
      %mul3A_88 = arith.muli %scan3A_56, %mul3A_87 : i32
      %add3A_89 = arith.constant 80 : i32
      %add3A_90 = arith.addi %mul3A_88, %add3A_89 : i32
      %swap3A_91 = arith.index_cast %add3A_90 : i32 to index
      %swap3A_92 = tpu.vector_load %arg7[%swap3A_91] {strides = array<i32>} : memref<10240xf32, #tpu.memory_space<vmem>>, vector<16xf32>,
      tpu.vector_store %arg7[%swap3A_91], %broadcast_in_dim3A_4 {strides = array<i32>} : memref<10240xf32, #tpu.memory_space<vmem>>, vector<16xf32>,
      %mul3A_93 = arith.constant 128 : i32
      %mul3A_94 = arith.muli %scan3A_56, %mul3A_93 : i32
      %add3A_95 = arith.constant 96 : i32
      %add3A_96 = arith.addi %mul3A_94, %add3A_95 : i32
      %swap3A_97 = arith.index_cast %add3A_96 : i32 to index
      %swap3A_98 = tpu.vector_load %arg7[%swap3A_97] {strides = array<i32>} : memref<10240xf32, #tpu.memory_space<vmem>>, vector<16xf32>,
      tpu.vector_store %arg7[%swap3A_97], %broadcast_in_dim3A_4 {strides = array<i32>} : memref<10240xf32, #tpu.memory_space<vmem>>, vector<16xf32>,
      %mul3A_99 = arith.constant 128 : i32
      %mul3A_100 = arith.muli %scan3A_56, %mul3A_99 : i32
      %add3A_101 = arith.constant 112 : i32
      %add3A_102 = arith.addi %mul3A_100, %add3A_101 : i32
      %swap3A_103 = arith.index_cast %add3A_102 : i32 to index
      %swap3A_104 = tpu.vector_load %arg7[%swap3A_103] {strides = array<i32>} : memref<10240xf32, #tpu.memory_space<vmem>>, vector<16xf32>,
      tpu.vector_store %arg7[%swap3A_103], %broadcast_in_dim3A_4 {strides = array<i32>} : memref<10240xf32, #tpu.memory_space<vmem>>, vector<16xf32>,
    }
    %scan3A_10 = arith.constant 80 : i32
    %scan3A_11 = arith.constant 0 : i32
    %scan3A_12 = arith.constant 250 : i32
    %scan3A_13 = arith.addi %scan3A_11, %scan3A_12 : i32
    %scan3A_14 = arith.constant 1 : i32
    scf.for %scan3A_56 = %scan3A_11 to %scan3A_13 step %scan3A_14  : i32 {
      %mul3A_57 = arith.constant 80 : i32
      %mul3A_58 = arith.muli %scan3A_56, %mul3A_57 : i32
      %add3A_59 = arith.constant 0 : i32
      %add3A_60 = arith.addi %mul3A_58, %add3A_59 : i32
      %get3A = arith.index_cast %add3A_60 : i32 to index
      %get3A_61 = tpu.vector_load %arg6[%get3A] {strides = array<i32>} : memref<20000xi32, #tpu.memory_space<vmem>>, vector<16xi32>,
      tpu.vector_store_idx %arg7[%get3A_61], %broadcast_in_dim3A_6 {add = true} : memref<10240xf32, #tpu.memory_space<vmem>>[vector<16xi32>], vector<16xf32>,
      %add3A_62 = arith.constant 16 : i32
      %add3A_63 = arith.addi %mul3A_58, %add3A_62 : i32
      %get3A_64 = arith.index_cast %add3A_63 : i32 to index
      %get3A_65 = tpu.vector_load %arg6[%get3A_64] {strides = array<i32>} : memref<20000xi32, #tpu.memory_space<vmem>>, vector<16xi32>,
      tpu.vector_store_idx %arg7[%get3A_65], %broadcast_in_dim3A_6 {add = true} : memref<10240xf32, #tpu.memory_space<vmem>>[vector<16xi32>], vector<16xf32>,
      %add3A_66 = arith.constant 32 : i32
      %add3A_67 = arith.addi %mul3A_58, %add3A_66 : i32
      %get3A_68 = arith.index_cast %add3A_67 : i32 to index
      %get3A_69 = tpu.vector_load %arg6[%get3A_68] {strides = array<i32>} : memref<20000xi32, #tpu.memory_space<vmem>>, vector<16xi32>,
      tpu.vector_store_idx %arg7[%get3A_69], %broadcast_in_dim3A_6 {add = true} : memref<10240xf32, #tpu.memory_space<vmem>>[vector<16xi32>], vector<16xf32>,
      %add3A_70 = arith.constant 48 : i32
      %add3A_71 = arith.addi %mul3A_58, %add3A_70 : i32
      %get3A_72 = arith.index_cast %add3A_71 : i32 to index
      %get3A_73 = tpu.vector_load %arg6[%get3A_72] {strides = array<i32>} : memref<20000xi32, #tpu.memory_space<vmem>>, vector<16xi32>,
      tpu.vector_store_idx %arg7[%get3A_73], %broadcast_in_dim3A_6 {add = true} : memref<10240xf32, #tpu.memory_space<vmem>>[vector<16xi32>], vector<16xf32>,
      %add3A_74 = arith.constant 64 : i32
      %add3A_75 = arith.addi %mul3A_58, %add3A_74 : i32
      %get3A_76 = arith.index_cast %add3A_75 : i32 to index
      %get3A_77 = tpu.vector_load %arg6[%get3A_76] {strides = array<i32>} : memref<20000xi32, #tpu.memory_space<vmem>>, vector<16xi32>,
      tpu.vector_store_idx %arg7[%get3A_77], %broadcast_in_dim3A_6 {add = true} : memref<10240xf32, #tpu.memory_space<vmem>>[vector<16xi32>], vector<16xf32>,
    }
    %scan3A_15 = arith.constant 250 : i32
    "tpu.region"() ({
      %run_scoped3A = tpu.sem_alloc : memref<!tpu.dma_semaphore, #tpu.memory_space<semaphore_mem>>
      %dma_start3A = arith.constant 0 : i32
      %dma_start3A_56 = tpu.memref_slice %arg13[%arg1, %dma_start3A] : memref<16x10240xf32, #tpu.memory_space<vmem_shared>> -> memref<1x10240xf32, #tpu.memory_space<vmem_shared>>
      %dma_start3A_57 = tpu.memref_squeeze %dma_start3A_56 : memref<1x10240xf32, #tpu.memory_space<vmem_shared>> -> memref<10240xf32, #tpu.memory_space<vmem_shared>>
      %dma_start3A_58 = arith.constant 0 : i32
      %dma_start3A_59 = tpu.memref_slice %arg13[%arg1, %dma_start3A_58] : memref<16x10240xf32, #tpu.memory_space<vmem_shared>> -> memref<1x10240xf32, #tpu.memory_space<vmem_shared>>
      %dma_start3A_60 = tpu.memref_squeeze %dma_start3A_59 : memref<1x10240xf32, #tpu.memory_space<vmem_shared>> -> memref<10240xf32, #tpu.memory_space<vmem_shared>>
      tpu.enqueue_dma source(%arg7 : memref<10240xf32, #tpu.memory_space<vmem>>) target(%dma_start3A_60 : memref<10240xf32, #tpu.memory_space<vmem_shared>>) target_semaphore(%run_scoped3A : memref<!tpu.dma_semaphore, #tpu.memory_space<semaphore_mem>>)
      %dma_wait3A = arith.constant 0 : i32
      %dma_wait3A_61 = tpu.memref_slice %arg13[%arg1, %dma_wait3A] : memref<16x10240xf32, #tpu.memory_space<vmem_shared>> -> memref<1x10240xf32, #tpu.memory_space<vmem_shared>>
      %dma_wait3A_62 = tpu.memref_squeeze %dma_wait3A_61 : memref<1x10240xf32, #tpu.memory_space<vmem_shared>> -> memref<10240xf32, #tpu.memory_space<vmem_shared>>
      %dma_wait3A_63 = arith.constant 0 : i32
      %dma_wait3A_64 = tpu.memref_slice %arg13[%arg1, %dma_wait3A_63] : memref<16x10240xf32, #tpu.memory_space<vmem_shared>> -> memref<1x10240xf32, #tpu.memory_space<vmem_shared>>
      %dma_wait3A_65 = tpu.memref_squeeze %dma_wait3A_64 : memref<1x10240xf32, #tpu.memory_space<vmem_shared>> -> memref<10240xf32, #tpu.memory_space<vmem_shared>>
      tpu.wait_dma2 semaphore(%run_scoped3A : memref<!tpu.dma_semaphore, #tpu.memory_space<semaphore_mem>>) src(%arg7 : memref<10240xf32, #tpu.memory_space<vmem>>) dst(%dma_wait3A_65 : memref<10240xf32, #tpu.memory_space<vmem_shared>>)
      tpu.yield
    }) : () -> ()
    %barrier3A = arith.constant 0 : index
    tpu.barrier barrier_id(%barrier3A)
    "tpu.region"() ({
      %run_scoped3A = tpu.sem_alloc : memref<!tpu.dma_semaphore, #tpu.memory_space<semaphore_mem>>
      %dma_start3A = arith.constant 0 : i32
      %dma_start3A_56 = tpu.memref_slice %arg13[%dma_start3A, %mul3A_2] : memref<16x10240xf32, #tpu.memory_space<vmem_shared>> -> memref<16x640xf32, #tpu.memory_space<vmem_shared>>
      %dma_start3A_57 = arith.constant 0 : i32
      %dma_start3A_58 = tpu.memref_slice %arg13[%dma_start3A_57, %mul3A_2] : memref<16x10240xf32, #tpu.memory_space<vmem_shared>> -> memref<16x640xf32, #tpu.memory_space<vmem_shared>>
      tpu.enqueue_dma source(%dma_start3A_58 : memref<16x640xf32, #tpu.memory_space<vmem_shared>>) target(%arg10 : memref<16x640xf32, #tpu.memory_space<vmem>>) target_semaphore(%run_scoped3A : memref<!tpu.dma_semaphore, #tpu.memory_space<semaphore_mem>>)
      %dma_wait3A = arith.constant 0 : i32
      %dma_wait3A_59 = tpu.memref_slice %arg13[%dma_wait3A, %mul3A_2] : memref<16x10240xf32, #tpu.memory_space<vmem_shared>> -> memref<16x640xf32, #tpu.memory_space<vmem_shared>>
      %dma_wait3A_60 = arith.constant 0 : i32
      %dma_wait3A_61 = tpu.memref_slice %arg13[%dma_wait3A_60, %mul3A_2] : memref<16x10240xf32, #tpu.memory_space<vmem_shared>> -> memref<16x640xf32, #tpu.memory_space<vmem_shared>>
      tpu.wait_dma2 semaphore(%run_scoped3A : memref<!tpu.dma_semaphore, #tpu.memory_space<semaphore_mem>>) src(%dma_wait3A_61 : memref<16x640xf32, #tpu.memory_space<vmem_shared>>) dst(%arg10 : memref<16x640xf32, #tpu.memory_space<vmem>>)
      tpu.yield
    }) : () -> ()
    %scan3A_16 = arith.constant 0 : i32
    %scan3A_17 = arith.constant 40 : i32
    %scan3A_18 = arith.addi %scan3A_16, %scan3A_17 : i32
    %scan3A_19 = arith.constant 1 : i32
    scf.for %scan3A_56 = %scan3A_16 to %scan3A_18 step %scan3A_19  : i32 {
      %mul3A_57 = arith.constant 16 : i32
      %mul3A_58 = arith.muli %scan3A_56, %mul3A_57 : i32
      %get3A = arith.constant 0 : i32
      %get3A_59 = arith.index_cast %get3A : i32 to index
      %get3A_60 = arith.index_cast %mul3A_58 : i32 to index
      %get3A_61 = tpu.vector_load %arg10[%get3A_59, %get3A_60] {strides = array<i32>} : memref<16x640xf32, #tpu.memory_space<vmem>>, vector<16xf32>,
      %mul3A_62 = arith.constant 16 : i32
      %mul3A_63 = arith.muli %scan3A_56, %mul3A_62 : i32
      %get3A_64 = arith.constant 1 : i32
      %get3A_65 = arith.index_cast %get3A_64 : i32 to index
      %get3A_66 = arith.index_cast %mul3A_63 : i32 to index
      %get3A_67 = tpu.vector_load %arg10[%get3A_65, %get3A_66] {strides = array<i32>} : memref<16x640xf32, #tpu.memory_space<vmem>>, vector<16xf32>,
      %add3A_68 = arith.addf %get3A_61, %get3A_67 : vector<16xf32>
      %mul3A_69 = arith.constant 16 : i32
      %mul3A_70 = arith.muli %scan3A_56, %mul3A_69 : i32
      %get3A_71 = arith.constant 2 : i32
      %get3A_72 = arith.index_cast %get3A_71 : i32 to index
      %get3A_73 = arith.index_cast %mul3A_70 : i32 to index
      %get3A_74 = tpu.vector_load %arg10[%get3A_72, %get3A_73] {strides = array<i32>} : memref<16x640xf32, #tpu.memory_space<vmem>>, vector<16xf32>,
      %add3A_75 = arith.addf %add3A_68, %get3A_74 : vector<16xf32>
      %mul3A_76 = arith.constant 16 : i32
      %mul3A_77 = arith.muli %scan3A_56, %mul3A_76 : i32
      %get3A_78 = arith.constant 3 : i32
      %get3A_79 = arith.index_cast %get3A_78 : i32 to index
      %get3A_80 = arith.index_cast %mul3A_77 : i32 to index
      %get3A_81 = tpu.vector_load %arg10[%get3A_79, %get3A_80] {strides = array<i32>} : memref<16x640xf32, #tpu.memory_space<vmem>>, vector<16xf32>,
      %add3A_82 = arith.addf %add3A_75, %get3A_81 : vector<16xf32>
      %mul3A_83 = arith.constant 16 : i32
      %mul3A_84 = arith.muli %scan3A_56, %mul3A_83 : i32
      %get3A_85 = arith.constant 4 : i32
      %get3A_86 = arith.index_cast %get3A_85 : i32 to index
      %get3A_87 = arith.index_cast %mul3A_84 : i32 to index
      %get3A_88 = tpu.vector_load %arg10[%get3A_86, %get3A_87] {strides = array<i32>} : memref<16x640xf32, #tpu.memory_space<vmem>>, vector<16xf32>,
      %add3A_89 = arith.addf %add3A_82, %get3A_88 : vector<16xf32>
      %mul3A_90 = arith.constant 16 : i32
      %mul3A_91 = arith.muli %scan3A_56, %mul3A_90 : i32
      %get3A_92 = arith.constant 5 : i32
      %get3A_93 = arith.index_cast %get3A_92 : i32 to index
      %get3A_94 = arith.index_cast %mul3A_91 : i32 to index
      %get3A_95 = tpu.vector_load %arg10[%get3A_93, %get3A_94] {strides = array<i32>} : memref<16x640xf32, #tpu.memory_space<vmem>>, vector<16xf32>,
      %add3A_96 = arith.addf %add3A_89, %get3A_95 : vector<16xf32>
      %mul3A_97 = arith.constant 16 : i32
      %mul3A_98 = arith.muli %scan3A_56, %mul3A_97 : i32
      %get3A_99 = arith.constant 6 : i32
      %get3A_100 = arith.index_cast %get3A_99 : i32 to index
      %get3A_101 = arith.index_cast %mul3A_98 : i32 to index
      %get3A_102 = tpu.vector_load %arg10[%get3A_100, %get3A_101] {strides = array<i32>} : memref<16x640xf32, #tpu.memory_space<vmem>>, vector<16xf32>,
      %add3A_103 = arith.addf %add3A_96, %get3A_102 : vector<16xf32>
      %mul3A_104 = arith.constant 16 : i32
      %mul3A_105 = arith.muli %scan3A_56, %mul3A_104 : i32
      %get3A_106 = arith.constant 7 : i32
      %get3A_107 = arith.index_cast %get3A_106 : i32 to index
      %get3A_108 = arith.index_cast %mul3A_105 : i32 to index
      %get3A_109 = tpu.vector_load %arg10[%get3A_107, %get3A_108] {strides = array<i32>} : memref<16x640xf32, #tpu.memory_space<vmem>>, vector<16xf32>,
      %add3A_110 = arith.addf %add3A_103, %get3A_109 : vector<16xf32>
      %mul3A_111 = arith.constant 16 : i32
      %mul3A_112 = arith.muli %scan3A_56, %mul3A_111 : i32
      %get3A_113 = arith.constant 8 : i32
      %get3A_114 = arith.index_cast %get3A_113 : i32 to index
      %get3A_115 = arith.index_cast %mul3A_112 : i32 to index
      %get3A_116 = tpu.vector_load %arg10[%get3A_114, %get3A_115] {strides = array<i32>} : memref<16x640xf32, #tpu.memory_space<vmem>>, vector<16xf32>,
      %add3A_117 = arith.addf %add3A_110, %get3A_116 : vector<16xf32>
      %mul3A_118 = arith.constant 16 : i32
      %mul3A_119 = arith.muli %scan3A_56, %mul3A_118 : i32
      %get3A_120 = arith.constant 9 : i32
      %get3A_121 = arith.index_cast %get3A_120 : i32 to index
      %get3A_122 = arith.index_cast %mul3A_119 : i32 to index
      %get3A_123 = tpu.vector_load %arg10[%get3A_121, %get3A_122] {strides = array<i32>} : memref<16x640xf32, #tpu.memory_space<vmem>>, vector<16xf32>,
      %add3A_124 = arith.addf %add3A_117, %get3A_123 : vector<16xf32>
      %mul3A_125 = arith.constant 16 : i32
      %mul3A_126 = arith.muli %scan3A_56, %mul3A_125 : i32
      %get3A_127 = arith.constant 10 : i32
      %get3A_128 = arith.index_cast %get3A_127 : i32 to index
      %get3A_129 = arith.index_cast %mul3A_126 : i32 to index
      %get3A_130 = tpu.vector_load %arg10[%get3A_128, %get3A_129] {strides = array<i32>} : memref<16x640xf32, #tpu.memory_space<vmem>>, vector<16xf32>,
      %add3A_131 = arith.addf %add3A_124, %get3A_130 : vector<16xf32>
      %mul3A_132 = arith.constant 16 : i32
      %mul3A_133 = arith.muli %scan3A_56, %mul3A_132 : i32
      %get3A_134 = arith.constant 11 : i32
      %get3A_135 = arith.index_cast %get3A_134 : i32 to index
      %get3A_136 = arith.index_cast %mul3A_133 : i32 to index
      %get3A_137 = tpu.vector_load %arg10[%get3A_135, %get3A_136] {strides = array<i32>} : memref<16x640xf32, #tpu.memory_space<vmem>>, vector<16xf32>,
      %add3A_138 = arith.addf %add3A_131, %get3A_137 : vector<16xf32>
      %mul3A_139 = arith.constant 16 : i32
      %mul3A_140 = arith.muli %scan3A_56, %mul3A_139 : i32
      %get3A_141 = arith.constant 12 : i32
      %get3A_142 = arith.index_cast %get3A_141 : i32 to index
      %get3A_143 = arith.index_cast %mul3A_140 : i32 to index
      %get3A_144 = tpu.vector_load %arg10[%get3A_142, %get3A_143] {strides = array<i32>} : memref<16x640xf32, #tpu.memory_space<vmem>>, vector<16xf32>,
      %add3A_145 = arith.addf %add3A_138, %get3A_144 : vector<16xf32>
      %mul3A_146 = arith.constant 16 : i32
      %mul3A_147 = arith.muli %scan3A_56, %mul3A_146 : i32
      %get3A_148 = arith.constant 13 : i32
      %get3A_149 = arith.index_cast %get3A_148 : i32 to index
      %get3A_150 = arith.index_cast %mul3A_147 : i32 to index
      %get3A_151 = tpu.vector_load %arg10[%get3A_149, %get3A_150] {strides = array<i32>} : memref<16x640xf32, #tpu.memory_space<vmem>>, vector<16xf32>,
      %add3A_152 = arith.addf %add3A_145, %get3A_151 : vector<16xf32>
      %mul3A_153 = arith.constant 16 : i32
      %mul3A_154 = arith.muli %scan3A_56, %mul3A_153 : i32
      %get3A_155 = arith.constant 14 : i32
      %get3A_156 = arith.index_cast %get3A_155 : i32 to index
      %get3A_157 = arith.index_cast %mul3A_154 : i32 to index
      %get3A_158 = tpu.vector_load %arg10[%get3A_156, %get3A_157] {strides = array<i32>} : memref<16x640xf32, #tpu.memory_space<vmem>>, vector<16xf32>,
      %add3A_159 = arith.addf %add3A_152, %get3A_158 : vector<16xf32>
      %mul3A_160 = arith.constant 16 : i32
      %mul3A_161 = arith.muli %scan3A_56, %mul3A_160 : i32
      %get3A_162 = arith.constant 15 : i32
      %get3A_163 = arith.index_cast %get3A_162 : i32 to index
      %get3A_164 = arith.index_cast %mul3A_161 : i32 to index
      %get3A_165 = tpu.vector_load %arg10[%get3A_163, %get3A_164] {strides = array<i32>} : memref<16x640xf32, #tpu.memory_space<vmem>>, vector<16xf32>,
      %add3A_166 = arith.addf %add3A_159, %get3A_165 : vector<16xf32>
      %add3A_167 = arith.constant 1.000000e+00 : f32
      %add3A_168 = vector.broadcast %add3A_167 : f32 to vector<16xf32>
      %add3A_169 = arith.addf %add3A_166, %add3A_168 : vector<16xf32>
      %max3A = arith.constant 1.000000e+00 : f32
      %max3A_170 = vector.broadcast %max3A : f32 to vector<16xf32>
      %max3A_171 = arith.maximumf %add3A_169, %max3A_170 : vector<16xf32>
      %bitcast3A = vector.bitcast %max3A_171 : vector<16xf32> to vector<16xi32>
      %shift_right_logical3A = arith.constant 1 : i32
      %shift_right_logical3A_172 = vector.broadcast %shift_right_logical3A : i32 to vector<16xi32>
      %shift_right_logical3A_173 = arith.shrui %bitcast3A, %shift_right_logical3A_172 : vector<16xi32>
      %sub3A = arith.constant 1597463007 : i32
      %sub3A_174 = vector.broadcast %sub3A : i32 to vector<16xi32>
      %sub3A_175 = arith.subi %sub3A_174, %shift_right_logical3A_173 : vector<16xi32>
      %bitcast3A_176 = vector.bitcast %sub3A_175 : vector<16xi32> to vector<16xf32>
      %mul3A_177 = arith.constant 5.000000e-01 : f32
      %mul3A_178 = vector.broadcast %mul3A_177 : f32 to vector<16xf32>
      %mul3A_179 = arith.mulf %mul3A_178, %max3A_171 : vector<16xf32>
      %mul3A_180 = arith.mulf %mul3A_179, %bitcast3A_176 : vector<16xf32>
      %mul3A_181 = arith.mulf %mul3A_180, %bitcast3A_176 : vector<16xf32>
      %sub3A_182 = arith.constant 1.500000e+00 : f32
      %sub3A_183 = vector.broadcast %sub3A_182 : f32 to vector<16xf32>
      %sub3A_184 = arith.subf %sub3A_183, %mul3A_181 : vector<16xf32>
      %mul3A_185 = arith.mulf %bitcast3A_176, %sub3A_184 : vector<16xf32>
      %mul3A_186 = arith.constant 5.000000e-01 : f32
      %mul3A_187 = vector.broadcast %mul3A_186 : f32 to vector<16xf32>
      %mul3A_188 = arith.mulf %mul3A_187, %max3A_171 : vector<16xf32>
      %mul3A_189 = arith.mulf %mul3A_188, %mul3A_185 : vector<16xf32>
      %mul3A_190 = arith.mulf %mul3A_189, %mul3A_185 : vector<16xf32>
      %sub3A_191 = arith.constant 1.500000e+00 : f32
      %sub3A_192 = vector.broadcast %sub3A_191 : f32 to vector<16xf32>
      %sub3A_193 = arith.subf %sub3A_192, %mul3A_190 : vector<16xf32>
      %mul3A_194 = arith.mulf %mul3A_185, %sub3A_193 : vector<16xf32>
      %mul3A_195 = arith.constant 5.000000e-01 : f32
      %mul3A_196 = vector.broadcast %mul3A_195 : f32 to vector<16xf32>
      %mul3A_197 = arith.mulf %mul3A_196, %max3A_171 : vector<16xf32>
      %mul3A_198 = arith.mulf %mul3A_197, %mul3A_194 : vector<16xf32>
      %mul3A_199 = arith.mulf %mul3A_198, %mul3A_194 : vector<16xf32>
      %sub3A_200 = arith.constant 1.500000e+00 : f32
      %sub3A_201 = vector.broadcast %sub3A_200 : f32 to vector<16xf32>
      %sub3A_202 = arith.subf %sub3A_201, %mul3A_199 : vector<16xf32>
      %mul3A_203 = arith.mulf %mul3A_194, %sub3A_202 : vector<16xf32>
      %mul3A_204 = arith.constant 5.000000e-01 : f32
      %mul3A_205 = vector.broadcast %mul3A_204 : f32 to vector<16xf32>
      %mul3A_206 = arith.mulf %mul3A_205, %max3A_171 : vector<16xf32>
      %mul3A_207 = arith.mulf %mul3A_206, %mul3A_203 : vector<16xf32>
      %mul3A_208 = arith.mulf %mul3A_207, %mul3A_203 : vector<16xf32>
      %sub3A_209 = arith.constant 1.500000e+00 : f32
      %sub3A_210 = vector.broadcast %sub3A_209 : f32 to vector<16xf32>
      %sub3A_211 = arith.subf %sub3A_210, %mul3A_208 : vector<16xf32>
      %mul3A_212 = arith.mulf %mul3A_203, %sub3A_211 : vector<16xf32>
      %mul3A_213 = arith.constant 16 : i32
      %mul3A_214 = arith.muli %scan3A_56, %mul3A_213 : i32
      %swap3A_215 = arith.index_cast %mul3A_214 : i32 to index
      %swap3A_216 = tpu.vector_load %arg11[%swap3A_215] {strides = array<i32>} : memref<640xf32, #tpu.memory_space<vmem>>, vector<16xf32>,
      tpu.vector_store %arg11[%swap3A_215], %mul3A_212 {strides = array<i32>} : memref<640xf32, #tpu.memory_space<vmem>>, vector<16xf32>,
    }
    %scan3A_20 = arith.constant 40 : i32
    "tpu.region"() ({
      %run_scoped3A = tpu.sem_alloc : memref<!tpu.dma_semaphore, #tpu.memory_space<semaphore_mem>>
      %dma_start3A = tpu.memref_slice %arg14[%mul3A_2] : memref<10240xf32, #tpu.memory_space<vmem_shared>> -> memref<640xf32, #tpu.memory_space<vmem_shared>>
      %dma_start3A_56 = tpu.memref_slice %arg14[%mul3A_2] : memref<10240xf32, #tpu.memory_space<vmem_shared>> -> memref<640xf32, #tpu.memory_space<vmem_shared>>
      tpu.enqueue_dma source(%arg11 : memref<640xf32, #tpu.memory_space<vmem>>) target(%dma_start3A_56 : memref<640xf32, #tpu.memory_space<vmem_shared>>) target_semaphore(%run_scoped3A : memref<!tpu.dma_semaphore, #tpu.memory_space<semaphore_mem>>)
      %dma_wait3A = tpu.memref_slice %arg14[%mul3A_2] : memref<10240xf32, #tpu.memory_space<vmem_shared>> -> memref<640xf32, #tpu.memory_space<vmem_shared>>
      %dma_wait3A_57 = tpu.memref_slice %arg14[%mul3A_2] : memref<10240xf32, #tpu.memory_space<vmem_shared>> -> memref<640xf32, #tpu.memory_space<vmem_shared>>
      tpu.wait_dma2 semaphore(%run_scoped3A : memref<!tpu.dma_semaphore, #tpu.memory_space<semaphore_mem>>) src(%arg11 : memref<640xf32, #tpu.memory_space<vmem>>) dst(%dma_wait3A_57 : memref<640xf32, #tpu.memory_space<vmem_shared>>)
      tpu.yield
    }) : () -> ()
    %barrier3A_21 = arith.constant 0 : index
    tpu.barrier barrier_id(%barrier3A_21)
    "tpu.region"() ({
      %run_scoped3A = tpu.sem_alloc : memref<!tpu.dma_semaphore, #tpu.memory_space<semaphore_mem>>
      tpu.enqueue_dma source(%arg14 : memref<10240xf32, #tpu.memory_space<vmem_shared>>) target(%arg8 : memref<10240xf32, #tpu.memory_space<vmem>>) target_semaphore(%run_scoped3A : memref<!tpu.dma_semaphore, #tpu.memory_space<semaphore_mem>>)
      tpu.wait_dma2 semaphore(%run_scoped3A : memref<!tpu.dma_semaphore, #tpu.memory_space<semaphore_mem>>) src(%arg14 : memref<10240xf32, #tpu.memory_space<vmem_shared>>) dst(%arg8 : memref<10240xf32, #tpu.memory_space<vmem>>)
      tpu.yield
    }) : () -> ()
    %scan3A_22 = arith.constant 0 : i32
    %scan3A_23 = arith.constant 80 : i32
    %scan3A_24 = arith.addi %scan3A_22, %scan3A_23 : i32
    %scan3A_25 = arith.constant 1 : i32
    scf.for %scan3A_56 = %scan3A_22 to %scan3A_24 step %scan3A_25  : i32 {
      %mul3A_57 = arith.constant 128 : i32
      %mul3A_58 = arith.muli %scan3A_56, %mul3A_57 : i32
      %add3A_59 = arith.constant 0 : i32
      %add3A_60 = arith.addi %mul3A_58, %add3A_59 : i32
      %swap3A_61 = arith.index_cast %add3A_60 : i32 to index
      %swap3A_62 = tpu.vector_load %arg7[%swap3A_61] {strides = array<i32>} : memref<10240xf32, #tpu.memory_space<vmem>>, vector<16xf32>,
      tpu.vector_store %arg7[%swap3A_61], %broadcast_in_dim3A_4 {strides = array<i32>} : memref<10240xf32, #tpu.memory_space<vmem>>, vector<16xf32>,
      %mul3A_63 = arith.constant 128 : i32
      %mul3A_64 = arith.muli %scan3A_56, %mul3A_63 : i32
      %add3A_65 = arith.constant 16 : i32
      %add3A_66 = arith.addi %mul3A_64, %add3A_65 : i32
      %swap3A_67 = arith.index_cast %add3A_66 : i32 to index
      %swap3A_68 = tpu.vector_load %arg7[%swap3A_67] {strides = array<i32>} : memref<10240xf32, #tpu.memory_space<vmem>>, vector<16xf32>,
      tpu.vector_store %arg7[%swap3A_67], %broadcast_in_dim3A_4 {strides = array<i32>} : memref<10240xf32, #tpu.memory_space<vmem>>, vector<16xf32>,
      %mul3A_69 = arith.constant 128 : i32
      %mul3A_70 = arith.muli %scan3A_56, %mul3A_69 : i32
      %add3A_71 = arith.constant 32 : i32
      %add3A_72 = arith.addi %mul3A_70, %add3A_71 : i32
      %swap3A_73 = arith.index_cast %add3A_72 : i32 to index
      %swap3A_74 = tpu.vector_load %arg7[%swap3A_73] {strides = array<i32>} : memref<10240xf32, #tpu.memory_space<vmem>>, vector<16xf32>,
      tpu.vector_store %arg7[%swap3A_73], %broadcast_in_dim3A_4 {strides = array<i32>} : memref<10240xf32, #tpu.memory_space<vmem>>, vector<16xf32>,
      %mul3A_75 = arith.constant 128 : i32
      %mul3A_76 = arith.muli %scan3A_56, %mul3A_75 : i32
      %add3A_77 = arith.constant 48 : i32
      %add3A_78 = arith.addi %mul3A_76, %add3A_77 : i32
      %swap3A_79 = arith.index_cast %add3A_78 : i32 to index
      %swap3A_80 = tpu.vector_load %arg7[%swap3A_79] {strides = array<i32>} : memref<10240xf32, #tpu.memory_space<vmem>>, vector<16xf32>,
      tpu.vector_store %arg7[%swap3A_79], %broadcast_in_dim3A_4 {strides = array<i32>} : memref<10240xf32, #tpu.memory_space<vmem>>, vector<16xf32>,
      %mul3A_81 = arith.constant 128 : i32
      %mul3A_82 = arith.muli %scan3A_56, %mul3A_81 : i32
      %add3A_83 = arith.constant 64 : i32
      %add3A_84 = arith.addi %mul3A_82, %add3A_83 : i32
      %swap3A_85 = arith.index_cast %add3A_84 : i32 to index
      %swap3A_86 = tpu.vector_load %arg7[%swap3A_85] {strides = array<i32>} : memref<10240xf32, #tpu.memory_space<vmem>>, vector<16xf32>,
      tpu.vector_store %arg7[%swap3A_85], %broadcast_in_dim3A_4 {strides = array<i32>} : memref<10240xf32, #tpu.memory_space<vmem>>, vector<16xf32>,
      %mul3A_87 = arith.constant 128 : i32
      %mul3A_88 = arith.muli %scan3A_56, %mul3A_87 : i32
      %add3A_89 = arith.constant 80 : i32
      %add3A_90 = arith.addi %mul3A_88, %add3A_89 : i32
      %swap3A_91 = arith.index_cast %add3A_90 : i32 to index
      %swap3A_92 = tpu.vector_load %arg7[%swap3A_91] {strides = array<i32>} : memref<10240xf32, #tpu.memory_space<vmem>>, vector<16xf32>,
      tpu.vector_store %arg7[%swap3A_91], %broadcast_in_dim3A_4 {strides = array<i32>} : memref<10240xf32, #tpu.memory_space<vmem>>, vector<16xf32>,
      %mul3A_93 = arith.constant 128 : i32
      %mul3A_94 = arith.muli %scan3A_56, %mul3A_93 : i32
      %add3A_95 = arith.constant 96 : i32
      %add3A_96 = arith.addi %mul3A_94, %add3A_95 : i32
      %swap3A_97 = arith.index_cast %add3A_96 : i32 to index
      %swap3A_98 = tpu.vector_load %arg7[%swap3A_97] {strides = array<i32>} : memref<10240xf32, #tpu.memory_space<vmem>>, vector<16xf32>,
      tpu.vector_store %arg7[%swap3A_97], %broadcast_in_dim3A_4 {strides = array<i32>} : memref<10240xf32, #tpu.memory_space<vmem>>, vector<16xf32>,
      %mul3A_99 = arith.constant 128 : i32
      %mul3A_100 = arith.muli %scan3A_56, %mul3A_99 : i32
      %add3A_101 = arith.constant 112 : i32
      %add3A_102 = arith.addi %mul3A_100, %add3A_101 : i32
      %swap3A_103 = arith.index_cast %add3A_102 : i32 to index
      %swap3A_104 = tpu.vector_load %arg7[%swap3A_103] {strides = array<i32>} : memref<10240xf32, #tpu.memory_space<vmem>>, vector<16xf32>,
      tpu.vector_store %arg7[%swap3A_103], %broadcast_in_dim3A_4 {strides = array<i32>} : memref<10240xf32, #tpu.memory_space<vmem>>, vector<16xf32>,
    }
    %scan3A_26 = arith.constant 80 : i32
    %scan3A_27 = arith.constant 0 : i32
    %scan3A_28 = arith.constant 250 : i32
    %scan3A_29 = arith.addi %scan3A_27, %scan3A_28 : i32
    %scan3A_30 = arith.constant 1 : i32
    scf.for %scan3A_56 = %scan3A_27 to %scan3A_29 step %scan3A_30  : i32 {
      %mul3A_57 = arith.constant 80 : i32
      %mul3A_58 = arith.muli %scan3A_56, %mul3A_57 : i32
      %add3A_59 = arith.constant 0 : i32
      %add3A_60 = arith.addi %mul3A_58, %add3A_59 : i32
      %get3A = arith.index_cast %add3A_60 : i32 to index
      %get3A_61 = tpu.vector_load %arg6[%get3A] {strides = array<i32>} : memref<20000xi32, #tpu.memory_space<vmem>>, vector<16xi32>,
      %gather3A = tpu.vector_load_idx %arg8[%get3A_61] : memref<10240xf32, #tpu.memory_space<vmem>>[vector<16xi32>], vector<16xf32>,
      %get3A_62 = arith.index_cast %add3A_60 : i32 to index
      %get3A_63 = tpu.vector_load %arg5[%get3A_62] {strides = array<i32>} : memref<20000xi32, #tpu.memory_space<vmem>>, vector<16xi32>,
      tpu.vector_store_idx %arg7[%get3A_63], %gather3A {add = true} : memref<10240xf32, #tpu.memory_space<vmem>>[vector<16xi32>], vector<16xf32>,
      %add3A_64 = arith.constant 16 : i32
      %add3A_65 = arith.addi %mul3A_58, %add3A_64 : i32
      %get3A_66 = arith.index_cast %add3A_65 : i32 to index
      %get3A_67 = tpu.vector_load %arg6[%get3A_66] {strides = array<i32>} : memref<20000xi32, #tpu.memory_space<vmem>>, vector<16xi32>,
      %gather3A_68 = tpu.vector_load_idx %arg8[%get3A_67] : memref<10240xf32, #tpu.memory_space<vmem>>[vector<16xi32>], vector<16xf32>,
      %get3A_69 = arith.index_cast %add3A_65 : i32 to index
      %get3A_70 = tpu.vector_load %arg5[%get3A_69] {strides = array<i32>} : memref<20000xi32, #tpu.memory_space<vmem>>, vector<16xi32>,
      tpu.vector_store_idx %arg7[%get3A_70], %gather3A_68 {add = true} : memref<10240xf32, #tpu.memory_space<vmem>>[vector<16xi32>], vector<16xf32>,
      %add3A_71 = arith.constant 32 : i32
      %add3A_72 = arith.addi %mul3A_58, %add3A_71 : i32
      %get3A_73 = arith.index_cast %add3A_72 : i32 to index
      %get3A_74 = tpu.vector_load %arg6[%get3A_73] {strides = array<i32>} : memref<20000xi32, #tpu.memory_space<vmem>>, vector<16xi32>,
      %gather3A_75 = tpu.vector_load_idx %arg8[%get3A_74] : memref<10240xf32, #tpu.memory_space<vmem>>[vector<16xi32>], vector<16xf32>,
      %get3A_76 = arith.index_cast %add3A_72 : i32 to index
      %get3A_77 = tpu.vector_load %arg5[%get3A_76] {strides = array<i32>} : memref<20000xi32, #tpu.memory_space<vmem>>, vector<16xi32>,
      tpu.vector_store_idx %arg7[%get3A_77], %gather3A_75 {add = true} : memref<10240xf32, #tpu.memory_space<vmem>>[vector<16xi32>], vector<16xf32>,
      %add3A_78 = arith.constant 48 : i32
      %add3A_79 = arith.addi %mul3A_58, %add3A_78 : i32
      %get3A_80 = arith.index_cast %add3A_79 : i32 to index
      %get3A_81 = tpu.vector_load %arg6[%get3A_80] {strides = array<i32>} : memref<20000xi32, #tpu.memory_space<vmem>>, vector<16xi32>,
      %gather3A_82 = tpu.vector_load_idx %arg8[%get3A_81] : memref<10240xf32, #tpu.memory_space<vmem>>[vector<16xi32>], vector<16xf32>,
      %get3A_83 = arith.index_cast %add3A_79 : i32 to index
      %get3A_84 = tpu.vector_load %arg5[%get3A_83] {strides = array<i32>} : memref<20000xi32, #tpu.memory_space<vmem>>, vector<16xi32>,
      tpu.vector_store_idx %arg7[%get3A_84], %gather3A_82 {add = true} : memref<10240xf32, #tpu.memory_space<vmem>>[vector<16xi32>], vector<16xf32>,
      %add3A_85 = arith.constant 64 : i32
      %add3A_86 = arith.addi %mul3A_58, %add3A_85 : i32
      %get3A_87 = arith.index_cast %add3A_86 : i32 to index
      %get3A_88 = tpu.vector_load %arg6[%get3A_87] {strides = array<i32>} : memref<20000xi32, #tpu.memory_space<vmem>>, vector<16xi32>,
      %gather3A_89 = tpu.vector_load_idx %arg8[%get3A_88] : memref<10240xf32, #tpu.memory_space<vmem>>[vector<16xi32>], vector<16xf32>,
      %get3A_90 = arith.index_cast %add3A_86 : i32 to index
      %get3A_91 = tpu.vector_load %arg5[%get3A_90] {strides = array<i32>} : memref<20000xi32, #tpu.memory_space<vmem>>, vector<16xi32>,
      tpu.vector_store_idx %arg7[%get3A_91], %gather3A_89 {add = true} : memref<10240xf32, #tpu.memory_space<vmem>>[vector<16xi32>], vector<16xf32>,
    }
    %scan3A_31 = arith.constant 250 : i32
    "tpu.region"() ({
      %run_scoped3A = tpu.sem_alloc : memref<!tpu.dma_semaphore, #tpu.memory_space<semaphore_mem>>
      %dma_start3A = arith.constant 0 : i32
      %dma_start3A_56 = tpu.memref_slice %arg13[%arg1, %dma_start3A] : memref<16x10240xf32, #tpu.memory_space<vmem_shared>> -> memref<1x10240xf32, #tpu.memory_space<vmem_shared>>
      %dma_start3A_57 = tpu.memref_squeeze %dma_start3A_56 : memref<1x10240xf32, #tpu.memory_space<vmem_shared>> -> memref<10240xf32, #tpu.memory_space<vmem_shared>>
      %dma_start3A_58 = arith.constant 0 : i32
      %dma_start3A_59 = tpu.memref_slice %arg13[%arg1, %dma_start3A_58] : memref<16x10240xf32, #tpu.memory_space<vmem_shared>> -> memref<1x10240xf32, #tpu.memory_space<vmem_shared>>
      %dma_start3A_60 = tpu.memref_squeeze %dma_start3A_59 : memref<1x10240xf32, #tpu.memory_space<vmem_shared>> -> memref<10240xf32, #tpu.memory_space<vmem_shared>>
      tpu.enqueue_dma source(%arg7 : memref<10240xf32, #tpu.memory_space<vmem>>) target(%dma_start3A_60 : memref<10240xf32, #tpu.memory_space<vmem_shared>>) target_semaphore(%run_scoped3A : memref<!tpu.dma_semaphore, #tpu.memory_space<semaphore_mem>>)
      %dma_wait3A = arith.constant 0 : i32
      %dma_wait3A_61 = tpu.memref_slice %arg13[%arg1, %dma_wait3A] : memref<16x10240xf32, #tpu.memory_space<vmem_shared>> -> memref<1x10240xf32, #tpu.memory_space<vmem_shared>>
      %dma_wait3A_62 = tpu.memref_squeeze %dma_wait3A_61 : memref<1x10240xf32, #tpu.memory_space<vmem_shared>> -> memref<10240xf32, #tpu.memory_space<vmem_shared>>
      %dma_wait3A_63 = arith.constant 0 : i32
      %dma_wait3A_64 = tpu.memref_slice %arg13[%arg1, %dma_wait3A_63] : memref<16x10240xf32, #tpu.memory_space<vmem_shared>> -> memref<1x10240xf32, #tpu.memory_space<vmem_shared>>
      %dma_wait3A_65 = tpu.memref_squeeze %dma_wait3A_64 : memref<1x10240xf32, #tpu.memory_space<vmem_shared>> -> memref<10240xf32, #tpu.memory_space<vmem_shared>>
      tpu.wait_dma2 semaphore(%run_scoped3A : memref<!tpu.dma_semaphore, #tpu.memory_space<semaphore_mem>>) src(%arg7 : memref<10240xf32, #tpu.memory_space<vmem>>) dst(%dma_wait3A_65 : memref<10240xf32, #tpu.memory_space<vmem_shared>>)
      tpu.yield
    }) : () -> ()
    %barrier3A_32 = arith.constant 0 : index
    tpu.barrier barrier_id(%barrier3A_32)
    "tpu.region"() ({
      %run_scoped3A = tpu.sem_alloc : memref<!tpu.dma_semaphore, #tpu.memory_space<semaphore_mem>>
      %dma_start3A = arith.constant 0 : i32
      %dma_start3A_56 = tpu.memref_slice %arg13[%dma_start3A, %mul3A_2] : memref<16x10240xf32, #tpu.memory_space<vmem_shared>> -> memref<16x640xf32, #tpu.memory_space<vmem_shared>>
      %dma_start3A_57 = arith.constant 0 : i32
      %dma_start3A_58 = tpu.memref_slice %arg13[%dma_start3A_57, %mul3A_2] : memref<16x10240xf32, #tpu.memory_space<vmem_shared>> -> memref<16x640xf32, #tpu.memory_space<vmem_shared>>
      tpu.enqueue_dma source(%dma_start3A_58 : memref<16x640xf32, #tpu.memory_space<vmem_shared>>) target(%arg10 : memref<16x640xf32, #tpu.memory_space<vmem>>) target_semaphore(%run_scoped3A : memref<!tpu.dma_semaphore, #tpu.memory_space<semaphore_mem>>)
      %dma_wait3A = arith.constant 0 : i32
      %dma_wait3A_59 = tpu.memref_slice %arg13[%dma_wait3A, %mul3A_2] : memref<16x10240xf32, #tpu.memory_space<vmem_shared>> -> memref<16x640xf32, #tpu.memory_space<vmem_shared>>
      %dma_wait3A_60 = arith.constant 0 : i32
      %dma_wait3A_61 = tpu.memref_slice %arg13[%dma_wait3A_60, %mul3A_2] : memref<16x10240xf32, #tpu.memory_space<vmem_shared>> -> memref<16x640xf32, #tpu.memory_space<vmem_shared>>
      tpu.wait_dma2 semaphore(%run_scoped3A : memref<!tpu.dma_semaphore, #tpu.memory_space<semaphore_mem>>) src(%dma_wait3A_61 : memref<16x640xf32, #tpu.memory_space<vmem_shared>>) dst(%arg10 : memref<16x640xf32, #tpu.memory_space<vmem>>)
      tpu.yield
    }) : () -> ()
    %swap3A = arith.constant 0 : index
    %swap3A_33 = tpu.vector_load %arg12[%swap3A] {strides = array<i32>} : memref<16xf32, #tpu.memory_space<vmem>>, vector<16xf32>,
    tpu.vector_store %arg12[%swap3A], %broadcast_in_dim3A_4 {strides = array<i32>} : memref<16xf32, #tpu.memory_space<vmem>>, vector<16xf32>,
    %scan3A_34 = arith.constant 0 : i32
    %scan3A_35 = arith.constant 40 : i32
    %scan3A_36 = arith.addi %scan3A_34, %scan3A_35 : i32
    %scan3A_37 = arith.constant 1 : i32
    scf.for %scan3A_56 = %scan3A_34 to %scan3A_36 step %scan3A_37  : i32 {
      %mul3A_57 = arith.constant 16 : i32
      %mul3A_58 = arith.muli %scan3A_56, %mul3A_57 : i32
      %get3A = arith.constant 0 : i32
      %get3A_59 = arith.index_cast %get3A : i32 to index
      %get3A_60 = arith.index_cast %mul3A_58 : i32 to index
      %get3A_61 = tpu.vector_load %arg10[%get3A_59, %get3A_60] {strides = array<i32>} : memref<16x640xf32, #tpu.memory_space<vmem>>, vector<16xf32>,
      %mul3A_62 = arith.constant 16 : i32
      %mul3A_63 = arith.muli %scan3A_56, %mul3A_62 : i32
      %get3A_64 = arith.constant 1 : i32
      %get3A_65 = arith.index_cast %get3A_64 : i32 to index
      %get3A_66 = arith.index_cast %mul3A_63 : i32 to index
      %get3A_67 = tpu.vector_load %arg10[%get3A_65, %get3A_66] {strides = array<i32>} : memref<16x640xf32, #tpu.memory_space<vmem>>, vector<16xf32>,
      %add3A_68 = arith.addf %get3A_61, %get3A_67 : vector<16xf32>
      %mul3A_69 = arith.constant 16 : i32
      %mul3A_70 = arith.muli %scan3A_56, %mul3A_69 : i32
      %get3A_71 = arith.constant 2 : i32
      %get3A_72 = arith.index_cast %get3A_71 : i32 to index
      %get3A_73 = arith.index_cast %mul3A_70 : i32 to index
      %get3A_74 = tpu.vector_load %arg10[%get3A_72, %get3A_73] {strides = array<i32>} : memref<16x640xf32, #tpu.memory_space<vmem>>, vector<16xf32>,
      %add3A_75 = arith.addf %add3A_68, %get3A_74 : vector<16xf32>
      %mul3A_76 = arith.constant 16 : i32
      %mul3A_77 = arith.muli %scan3A_56, %mul3A_76 : i32
      %get3A_78 = arith.constant 3 : i32
      %get3A_79 = arith.index_cast %get3A_78 : i32 to index
      %get3A_80 = arith.index_cast %mul3A_77 : i32 to index
      %get3A_81 = tpu.vector_load %arg10[%get3A_79, %get3A_80] {strides = array<i32>} : memref<16x640xf32, #tpu.memory_space<vmem>>, vector<16xf32>,
      %add3A_82 = arith.addf %add3A_75, %get3A_81 : vector<16xf32>
      %mul3A_83 = arith.constant 16 : i32
      %mul3A_84 = arith.muli %scan3A_56, %mul3A_83 : i32
      %get3A_85 = arith.constant 4 : i32
      %get3A_86 = arith.index_cast %get3A_85 : i32 to index
      %get3A_87 = arith.index_cast %mul3A_84 : i32 to index
      %get3A_88 = tpu.vector_load %arg10[%get3A_86, %get3A_87] {strides = array<i32>} : memref<16x640xf32, #tpu.memory_space<vmem>>, vector<16xf32>,
      %add3A_89 = arith.addf %add3A_82, %get3A_88 : vector<16xf32>
      %mul3A_90 = arith.constant 16 : i32
      %mul3A_91 = arith.muli %scan3A_56, %mul3A_90 : i32
      %get3A_92 = arith.constant 5 : i32
      %get3A_93 = arith.index_cast %get3A_92 : i32 to index
      %get3A_94 = arith.index_cast %mul3A_91 : i32 to index
      %get3A_95 = tpu.vector_load %arg10[%get3A_93, %get3A_94] {strides = array<i32>} : memref<16x640xf32, #tpu.memory_space<vmem>>, vector<16xf32>,
      %add3A_96 = arith.addf %add3A_89, %get3A_95 : vector<16xf32>
      %mul3A_97 = arith.constant 16 : i32
      %mul3A_98 = arith.muli %scan3A_56, %mul3A_97 : i32
      %get3A_99 = arith.constant 6 : i32
      %get3A_100 = arith.index_cast %get3A_99 : i32 to index
      %get3A_101 = arith.index_cast %mul3A_98 : i32 to index
      %get3A_102 = tpu.vector_load %arg10[%get3A_100, %get3A_101] {strides = array<i32>} : memref<16x640xf32, #tpu.memory_space<vmem>>, vector<16xf32>,
      %add3A_103 = arith.addf %add3A_96, %get3A_102 : vector<16xf32>
      %mul3A_104 = arith.constant 16 : i32
      %mul3A_105 = arith.muli %scan3A_56, %mul3A_104 : i32
      %get3A_106 = arith.constant 7 : i32
      %get3A_107 = arith.index_cast %get3A_106 : i32 to index
      %get3A_108 = arith.index_cast %mul3A_105 : i32 to index
      %get3A_109 = tpu.vector_load %arg10[%get3A_107, %get3A_108] {strides = array<i32>} : memref<16x640xf32, #tpu.memory_space<vmem>>, vector<16xf32>,
      %add3A_110 = arith.addf %add3A_103, %get3A_109 : vector<16xf32>
      %mul3A_111 = arith.constant 16 : i32
      %mul3A_112 = arith.muli %scan3A_56, %mul3A_111 : i32
      %get3A_113 = arith.constant 8 : i32
      %get3A_114 = arith.index_cast %get3A_113 : i32 to index
      %get3A_115 = arith.index_cast %mul3A_112 : i32 to index
      %get3A_116 = tpu.vector_load %arg10[%get3A_114, %get3A_115] {strides = array<i32>} : memref<16x640xf32, #tpu.memory_space<vmem>>, vector<16xf32>,
      %add3A_117 = arith.addf %add3A_110, %get3A_116 : vector<16xf32>
      %mul3A_118 = arith.constant 16 : i32
      %mul3A_119 = arith.muli %scan3A_56, %mul3A_118 : i32
      %get3A_120 = arith.constant 9 : i32
      %get3A_121 = arith.index_cast %get3A_120 : i32 to index
      %get3A_122 = arith.index_cast %mul3A_119 : i32 to index
      %get3A_123 = tpu.vector_load %arg10[%get3A_121, %get3A_122] {strides = array<i32>} : memref<16x640xf32, #tpu.memory_space<vmem>>, vector<16xf32>,
      %add3A_124 = arith.addf %add3A_117, %get3A_123 : vector<16xf32>
      %mul3A_125 = arith.constant 16 : i32
      %mul3A_126 = arith.muli %scan3A_56, %mul3A_125 : i32
      %get3A_127 = arith.constant 10 : i32
      %get3A_128 = arith.index_cast %get3A_127 : i32 to index
      %get3A_129 = arith.index_cast %mul3A_126 : i32 to index
      %get3A_130 = tpu.vector_load %arg10[%get3A_128, %get3A_129] {strides = array<i32>} : memref<16x640xf32, #tpu.memory_space<vmem>>, vector<16xf32>,
      %add3A_131 = arith.addf %add3A_124, %get3A_130 : vector<16xf32>
      %mul3A_132 = arith.constant 16 : i32
      %mul3A_133 = arith.muli %scan3A_56, %mul3A_132 : i32
      %get3A_134 = arith.constant 11 : i32
      %get3A_135 = arith.index_cast %get3A_134 : i32 to index
      %get3A_136 = arith.index_cast %mul3A_133 : i32 to index
      %get3A_137 = tpu.vector_load %arg10[%get3A_135, %get3A_136] {strides = array<i32>} : memref<16x640xf32, #tpu.memory_space<vmem>>, vector<16xf32>,
      %add3A_138 = arith.addf %add3A_131, %get3A_137 : vector<16xf32>
      %mul3A_139 = arith.constant 16 : i32
      %mul3A_140 = arith.muli %scan3A_56, %mul3A_139 : i32
      %get3A_141 = arith.constant 12 : i32
      %get3A_142 = arith.index_cast %get3A_141 : i32 to index
      %get3A_143 = arith.index_cast %mul3A_140 : i32 to index
      %get3A_144 = tpu.vector_load %arg10[%get3A_142, %get3A_143] {strides = array<i32>} : memref<16x640xf32, #tpu.memory_space<vmem>>, vector<16xf32>,
      %add3A_145 = arith.addf %add3A_138, %get3A_144 : vector<16xf32>
      %mul3A_146 = arith.constant 16 : i32
      %mul3A_147 = arith.muli %scan3A_56, %mul3A_146 : i32
      %get3A_148 = arith.constant 13 : i32
      %get3A_149 = arith.index_cast %get3A_148 : i32 to index
      %get3A_150 = arith.index_cast %mul3A_147 : i32 to index
      %get3A_151 = tpu.vector_load %arg10[%get3A_149, %get3A_150] {strides = array<i32>} : memref<16x640xf32, #tpu.memory_space<vmem>>, vector<16xf32>,
      %add3A_152 = arith.addf %add3A_145, %get3A_151 : vector<16xf32>
      %mul3A_153 = arith.constant 16 : i32
      %mul3A_154 = arith.muli %scan3A_56, %mul3A_153 : i32
      %get3A_155 = arith.constant 14 : i32
      %get3A_156 = arith.index_cast %get3A_155 : i32 to index
      %get3A_157 = arith.index_cast %mul3A_154 : i32 to index
      %get3A_158 = tpu.vector_load %arg10[%get3A_156, %get3A_157] {strides = array<i32>} : memref<16x640xf32, #tpu.memory_space<vmem>>, vector<16xf32>,
      %add3A_159 = arith.addf %add3A_152, %get3A_158 : vector<16xf32>
      %mul3A_160 = arith.constant 16 : i32
      %mul3A_161 = arith.muli %scan3A_56, %mul3A_160 : i32
      %get3A_162 = arith.constant 15 : i32
      %get3A_163 = arith.index_cast %get3A_162 : i32 to index
      %get3A_164 = arith.index_cast %mul3A_161 : i32 to index
      %get3A_165 = tpu.vector_load %arg10[%get3A_163, %get3A_164] {strides = array<i32>} : memref<16x640xf32, #tpu.memory_space<vmem>>, vector<16xf32>,
      %add3A_166 = arith.addf %add3A_159, %get3A_165 : vector<16xf32>
      %mul3A_167 = arith.constant 16 : i32
      %mul3A_168 = arith.muli %scan3A_56, %mul3A_167 : i32
      %add3A_169 = arith.addi %mul3A_2, %mul3A_168 : i32
      %get3A_170 = arith.index_cast %add3A_169 : i32 to index
      %get3A_171 = tpu.vector_load %arg8[%get3A_170] {strides = array<i32>} : memref<10240xf32, #tpu.memory_space<vmem>>, vector<16xf32>,
      %add3A_172 = arith.addf %get3A_171, %add3A_166 : vector<16xf32>
      %mul3A_173 = arith.mulf %get3A_171, %add3A_172 : vector<16xf32>
      %mul3A_174 = arith.constant 16 : i32
      %mul3A_175 = arith.muli %scan3A_56, %mul3A_174 : i32
      %add3A_176 = arith.addi %mul3A_2, %mul3A_175 : i32
      %add3A_177 = vector.broadcast %add3A_176 : i32 to vector<16xi32>
      %add3A_178 = arith.addi %add3A_177, %iota3A : vector<16xi32>
      %lt3A = arith.constant 10000 : i32
      %lt3A_179 = vector.broadcast %lt3A : i32 to vector<16xi32>
      %lt3A_180 = arith.cmpi slt, %add3A_178, %lt3A_179 : vector<16xi32>
      %jit3A = arith.constant 0.000000e+00 : f32
      %broadcast_in_dim3A_181 = vector.broadcast %jit3A : f32 to vector<16xf32>
      %select_n3A = arith.select %lt3A_180, %mul3A_173, %broadcast_in_dim3A_181 : vector<16xi1>, vector<16xf32>
      %get3A_182 = arith.constant 0 : index
      %get3A_183 = tpu.vector_load %arg12[%get3A_182] {strides = array<i32>} : memref<16xf32, #tpu.memory_space<vmem>>, vector<16xf32>,
      %add3A_184 = arith.addf %get3A_183, %select_n3A : vector<16xf32>
      %swap3A_185 = arith.constant 0 : index
      %swap3A_186 = tpu.vector_load %arg12[%swap3A_185] {strides = array<i32>} : memref<16xf32, #tpu.memory_space<vmem>>, vector<16xf32>,
      tpu.vector_store %arg12[%swap3A_185], %add3A_184 {strides = array<i32>} : memref<16xf32, #tpu.memory_space<vmem>>, vector<16xf32>,
      %mul3A_187 = arith.mulf %get3A_171, %select_n3A : vector<16xf32>
      %mul3A_188 = arith.constant 16 : i32
      %mul3A_189 = arith.muli %scan3A_56, %mul3A_188 : i32
      %swap3A_190 = arith.index_cast %mul3A_189 : i32 to index
      %swap3A_191 = tpu.vector_load %arg11[%swap3A_190] {strides = array<i32>} : memref<640xf32, #tpu.memory_space<vmem>>, vector<16xf32>,
      tpu.vector_store %arg11[%swap3A_190], %mul3A_187 {strides = array<i32>} : memref<640xf32, #tpu.memory_space<vmem>>, vector<16xf32>,
    }
    %scan3A_38 = arith.constant 40 : i32
    "tpu.region"() ({
      %run_scoped3A = tpu.sem_alloc : memref<!tpu.dma_semaphore, #tpu.memory_space<semaphore_mem>>
      %dma_start3A = arith.constant 0 : i32
      %dma_start3A_56 = tpu.memref_slice %arg4[%arg1, %dma_start3A] : memref<16x16xf32, #tpu.memory_space<hbm>> -> memref<1x16xf32, #tpu.memory_space<hbm>>
      %dma_start3A_57 = tpu.memref_squeeze %dma_start3A_56 : memref<1x16xf32, #tpu.memory_space<hbm>> -> memref<16xf32, #tpu.memory_space<hbm>>
      %dma_start3A_58 = arith.constant 0 : i32
      %dma_start3A_59 = tpu.memref_slice %arg4[%arg1, %dma_start3A_58] : memref<16x16xf32, #tpu.memory_space<hbm>> -> memref<1x16xf32, #tpu.memory_space<hbm>>
      %dma_start3A_60 = tpu.memref_squeeze %dma_start3A_59 : memref<1x16xf32, #tpu.memory_space<hbm>> -> memref<16xf32, #tpu.memory_space<hbm>>
      tpu.enqueue_dma source(%arg12 : memref<16xf32, #tpu.memory_space<vmem>>) target(%dma_start3A_60 : memref<16xf32, #tpu.memory_space<hbm>>) target_semaphore(%run_scoped3A : memref<!tpu.dma_semaphore, #tpu.memory_space<semaphore_mem>>)
      %dma_wait3A = arith.constant 0 : i32
      %dma_wait3A_61 = tpu.memref_slice %arg4[%arg1, %dma_wait3A] : memref<16x16xf32, #tpu.memory_space<hbm>> -> memref<1x16xf32, #tpu.memory_space<hbm>>
      %dma_wait3A_62 = tpu.memref_squeeze %dma_wait3A_61 : memref<1x16xf32, #tpu.memory_space<hbm>> -> memref<16xf32, #tpu.memory_space<hbm>>
      %dma_wait3A_63 = arith.constant 0 : i32
      %dma_wait3A_64 = tpu.memref_slice %arg4[%arg1, %dma_wait3A_63] : memref<16x16xf32, #tpu.memory_space<hbm>> -> memref<1x16xf32, #tpu.memory_space<hbm>>
      %dma_wait3A_65 = tpu.memref_squeeze %dma_wait3A_64 : memref<1x16xf32, #tpu.memory_space<hbm>> -> memref<16xf32, #tpu.memory_space<hbm>>
      tpu.wait_dma2 semaphore(%run_scoped3A : memref<!tpu.dma_semaphore, #tpu.memory_space<semaphore_mem>>) src(%arg12 : memref<16xf32, #tpu.memory_space<vmem>>) dst(%dma_wait3A_65 : memref<16xf32, #tpu.memory_space<hbm>>)
      tpu.yield
    }) : () -> ()
    "tpu.region"() ({
      %run_scoped3A = tpu.sem_alloc : memref<!tpu.dma_semaphore, #tpu.memory_space<semaphore_mem>>
      %dma_start3A = tpu.memref_slice %arg14[%mul3A_2] : memref<10240xf32, #tpu.memory_space<vmem_shared>> -> memref<640xf32, #tpu.memory_space<vmem_shared>>
      %dma_start3A_56 = tpu.memref_slice %arg14[%mul3A_2] : memref<10240xf32, #tpu.memory_space<vmem_shared>> -> memref<640xf32, #tpu.memory_space<vmem_shared>>
      tpu.enqueue_dma source(%arg11 : memref<640xf32, #tpu.memory_space<vmem>>) target(%dma_start3A_56 : memref<640xf32, #tpu.memory_space<vmem_shared>>) target_semaphore(%run_scoped3A : memref<!tpu.dma_semaphore, #tpu.memory_space<semaphore_mem>>)
      %dma_wait3A = tpu.memref_slice %arg14[%mul3A_2] : memref<10240xf32, #tpu.memory_space<vmem_shared>> -> memref<640xf32, #tpu.memory_space<vmem_shared>>
      %dma_wait3A_57 = tpu.memref_slice %arg14[%mul3A_2] : memref<10240xf32, #tpu.memory_space<vmem_shared>> -> memref<640xf32, #tpu.memory_space<vmem_shared>>
      tpu.wait_dma2 semaphore(%run_scoped3A : memref<!tpu.dma_semaphore, #tpu.memory_space<semaphore_mem>>) src(%arg11 : memref<640xf32, #tpu.memory_space<vmem>>) dst(%dma_wait3A_57 : memref<640xf32, #tpu.memory_space<vmem_shared>>)
      tpu.yield
    }) : () -> ()
    %barrier3A_39 = arith.constant 0 : index
    tpu.barrier barrier_id(%barrier3A_39)
    "tpu.region"() ({
      %run_scoped3A = tpu.sem_alloc : memref<!tpu.dma_semaphore, #tpu.memory_space<semaphore_mem>>
      tpu.enqueue_dma source(%arg14 : memref<10240xf32, #tpu.memory_space<vmem_shared>>) target(%arg9 : memref<10240xf32, #tpu.memory_space<vmem>>) target_semaphore(%run_scoped3A : memref<!tpu.dma_semaphore, #tpu.memory_space<semaphore_mem>>)
      tpu.wait_dma2 semaphore(%run_scoped3A : memref<!tpu.dma_semaphore, #tpu.memory_space<semaphore_mem>>) src(%arg14 : memref<10240xf32, #tpu.memory_space<vmem_shared>>) dst(%arg9 : memref<10240xf32, #tpu.memory_space<vmem>>)
      tpu.yield
    }) : () -> ()
    %scan3A_40 = arith.constant 0 : i32
    %scan3A_41 = arith.constant 80 : i32
    %scan3A_42 = arith.addi %scan3A_40, %scan3A_41 : i32
    %scan3A_43 = arith.constant 1 : i32
    scf.for %scan3A_56 = %scan3A_40 to %scan3A_42 step %scan3A_43  : i32 {
      %mul3A_57 = arith.constant 128 : i32
      %mul3A_58 = arith.muli %scan3A_56, %mul3A_57 : i32
      %add3A_59 = arith.constant 0 : i32
      %add3A_60 = arith.addi %mul3A_58, %add3A_59 : i32
      %swap3A_61 = arith.index_cast %add3A_60 : i32 to index
      %swap3A_62 = tpu.vector_load %arg7[%swap3A_61] {strides = array<i32>} : memref<10240xf32, #tpu.memory_space<vmem>>, vector<16xf32>,
      tpu.vector_store %arg7[%swap3A_61], %broadcast_in_dim3A_4 {strides = array<i32>} : memref<10240xf32, #tpu.memory_space<vmem>>, vector<16xf32>,
      %mul3A_63 = arith.constant 128 : i32
      %mul3A_64 = arith.muli %scan3A_56, %mul3A_63 : i32
      %add3A_65 = arith.constant 16 : i32
      %add3A_66 = arith.addi %mul3A_64, %add3A_65 : i32
      %swap3A_67 = arith.index_cast %add3A_66 : i32 to index
      %swap3A_68 = tpu.vector_load %arg7[%swap3A_67] {strides = array<i32>} : memref<10240xf32, #tpu.memory_space<vmem>>, vector<16xf32>,
      tpu.vector_store %arg7[%swap3A_67], %broadcast_in_dim3A_4 {strides = array<i32>} : memref<10240xf32, #tpu.memory_space<vmem>>, vector<16xf32>,
      %mul3A_69 = arith.constant 128 : i32
      %mul3A_70 = arith.muli %scan3A_56, %mul3A_69 : i32
      %add3A_71 = arith.constant 32 : i32
      %add3A_72 = arith.addi %mul3A_70, %add3A_71 : i32
      %swap3A_73 = arith.index_cast %add3A_72 : i32 to index
      %swap3A_74 = tpu.vector_load %arg7[%swap3A_73] {strides = array<i32>} : memref<10240xf32, #tpu.memory_space<vmem>>, vector<16xf32>,
      tpu.vector_store %arg7[%swap3A_73], %broadcast_in_dim3A_4 {strides = array<i32>} : memref<10240xf32, #tpu.memory_space<vmem>>, vector<16xf32>,
      %mul3A_75 = arith.constant 128 : i32
      %mul3A_76 = arith.muli %scan3A_56, %mul3A_75 : i32
      %add3A_77 = arith.constant 48 : i32
      %add3A_78 = arith.addi %mul3A_76, %add3A_77 : i32
      %swap3A_79 = arith.index_cast %add3A_78 : i32 to index
      %swap3A_80 = tpu.vector_load %arg7[%swap3A_79] {strides = array<i32>} : memref<10240xf32, #tpu.memory_space<vmem>>, vector<16xf32>,
      tpu.vector_store %arg7[%swap3A_79], %broadcast_in_dim3A_4 {strides = array<i32>} : memref<10240xf32, #tpu.memory_space<vmem>>, vector<16xf32>,
      %mul3A_81 = arith.constant 128 : i32
      %mul3A_82 = arith.muli %scan3A_56, %mul3A_81 : i32
      %add3A_83 = arith.constant 64 : i32
      %add3A_84 = arith.addi %mul3A_82, %add3A_83 : i32
      %swap3A_85 = arith.index_cast %add3A_84 : i32 to index
      %swap3A_86 = tpu.vector_load %arg7[%swap3A_85] {strides = array<i32>} : memref<10240xf32, #tpu.memory_space<vmem>>, vector<16xf32>,
      tpu.vector_store %arg7[%swap3A_85], %broadcast_in_dim3A_4 {strides = array<i32>} : memref<10240xf32, #tpu.memory_space<vmem>>, vector<16xf32>,
      %mul3A_87 = arith.constant 128 : i32
      %mul3A_88 = arith.muli %scan3A_56, %mul3A_87 : i32
      %add3A_89 = arith.constant 80 : i32
      %add3A_90 = arith.addi %mul3A_88, %add3A_89 : i32
      %swap3A_91 = arith.index_cast %add3A_90 : i32 to index
      %swap3A_92 = tpu.vector_load %arg7[%swap3A_91] {strides = array<i32>} : memref<10240xf32, #tpu.memory_space<vmem>>, vector<16xf32>,
      tpu.vector_store %arg7[%swap3A_91], %broadcast_in_dim3A_4 {strides = array<i32>} : memref<10240xf32, #tpu.memory_space<vmem>>, vector<16xf32>,
      %mul3A_93 = arith.constant 128 : i32
      %mul3A_94 = arith.muli %scan3A_56, %mul3A_93 : i32
      %add3A_95 = arith.constant 96 : i32
      %add3A_96 = arith.addi %mul3A_94, %add3A_95 : i32
      %swap3A_97 = arith.index_cast %add3A_96 : i32 to index
      %swap3A_98 = tpu.vector_load %arg7[%swap3A_97] {strides = array<i32>} : memref<10240xf32, #tpu.memory_space<vmem>>, vector<16xf32>,
      tpu.vector_store %arg7[%swap3A_97], %broadcast_in_dim3A_4 {strides = array<i32>} : memref<10240xf32, #tpu.memory_space<vmem>>, vector<16xf32>,
      %mul3A_99 = arith.constant 128 : i32
      %mul3A_100 = arith.muli %scan3A_56, %mul3A_99 : i32
      %add3A_101 = arith.constant 112 : i32
      %add3A_102 = arith.addi %mul3A_100, %add3A_101 : i32
      %swap3A_103 = arith.index_cast %add3A_102 : i32 to index
      %swap3A_104 = tpu.vector_load %arg7[%swap3A_103] {strides = array<i32>} : memref<10240xf32, #tpu.memory_space<vmem>>, vector<16xf32>,
      tpu.vector_store %arg7[%swap3A_103], %broadcast_in_dim3A_4 {strides = array<i32>} : memref<10240xf32, #tpu.memory_space<vmem>>, vector<16xf32>,
    }
    %scan3A_44 = arith.constant 80 : i32
    %scan3A_45 = arith.constant 0 : i32
    %scan3A_46 = arith.constant 250 : i32
    %scan3A_47 = arith.addi %scan3A_45, %scan3A_46 : i32
    %scan3A_48 = arith.constant 1 : i32
    scf.for %scan3A_56 = %scan3A_45 to %scan3A_47 step %scan3A_48  : i32 {
      %mul3A_57 = arith.constant 80 : i32
      %mul3A_58 = arith.muli %scan3A_56, %mul3A_57 : i32
      %add3A_59 = arith.constant 0 : i32
      %add3A_60 = arith.addi %mul3A_58, %add3A_59 : i32
      %get3A = arith.index_cast %add3A_60 : i32 to index
      %get3A_61 = tpu.vector_load %arg6[%get3A] {strides = array<i32>} : memref<20000xi32, #tpu.memory_space<vmem>>, vector<16xi32>,
      %gather3A = tpu.vector_load_idx %arg9[%get3A_61] : memref<10240xf32, #tpu.memory_space<vmem>>[vector<16xi32>], vector<16xf32>,
      %get3A_62 = arith.index_cast %add3A_60 : i32 to index
      %get3A_63 = tpu.vector_load %arg5[%get3A_62] {strides = array<i32>} : memref<20000xi32, #tpu.memory_space<vmem>>, vector<16xi32>,
      tpu.vector_store_idx %arg7[%get3A_63], %gather3A {add = true} : memref<10240xf32, #tpu.memory_space<vmem>>[vector<16xi32>], vector<16xf32>,
      %add3A_64 = arith.constant 16 : i32
      %add3A_65 = arith.addi %mul3A_58, %add3A_64 : i32
      %get3A_66 = arith.index_cast %add3A_65 : i32 to index
      %get3A_67 = tpu.vector_load %arg6[%get3A_66] {strides = array<i32>} : memref<20000xi32, #tpu.memory_space<vmem>>, vector<16xi32>,
      %gather3A_68 = tpu.vector_load_idx %arg9[%get3A_67] : memref<10240xf32, #tpu.memory_space<vmem>>[vector<16xi32>], vector<16xf32>,
      %get3A_69 = arith.index_cast %add3A_65 : i32 to index
      %get3A_70 = tpu.vector_load %arg5[%get3A_69] {strides = array<i32>} : memref<20000xi32, #tpu.memory_space<vmem>>, vector<16xi32>,
      tpu.vector_store_idx %arg7[%get3A_70], %gather3A_68 {add = true} : memref<10240xf32, #tpu.memory_space<vmem>>[vector<16xi32>], vector<16xf32>,
      %add3A_71 = arith.constant 32 : i32
      %add3A_72 = arith.addi %mul3A_58, %add3A_71 : i32
      %get3A_73 = arith.index_cast %add3A_72 : i32 to index
      %get3A_74 = tpu.vector_load %arg6[%get3A_73] {strides = array<i32>} : memref<20000xi32, #tpu.memory_space<vmem>>, vector<16xi32>,
      %gather3A_75 = tpu.vector_load_idx %arg9[%get3A_74] : memref<10240xf32, #tpu.memory_space<vmem>>[vector<16xi32>], vector<16xf32>,
      %get3A_76 = arith.index_cast %add3A_72 : i32 to index
      %get3A_77 = tpu.vector_load %arg5[%get3A_76] {strides = array<i32>} : memref<20000xi32, #tpu.memory_space<vmem>>, vector<16xi32>,
      tpu.vector_store_idx %arg7[%get3A_77], %gather3A_75 {add = true} : memref<10240xf32, #tpu.memory_space<vmem>>[vector<16xi32>], vector<16xf32>,
      %add3A_78 = arith.constant 48 : i32
      %add3A_79 = arith.addi %mul3A_58, %add3A_78 : i32
      %get3A_80 = arith.index_cast %add3A_79 : i32 to index
      %get3A_81 = tpu.vector_load %arg6[%get3A_80] {strides = array<i32>} : memref<20000xi32, #tpu.memory_space<vmem>>, vector<16xi32>,
      %gather3A_82 = tpu.vector_load_idx %arg9[%get3A_81] : memref<10240xf32, #tpu.memory_space<vmem>>[vector<16xi32>], vector<16xf32>,
      %get3A_83 = arith.index_cast %add3A_79 : i32 to index
      %get3A_84 = tpu.vector_load %arg5[%get3A_83] {strides = array<i32>} : memref<20000xi32, #tpu.memory_space<vmem>>, vector<16xi32>,
      tpu.vector_store_idx %arg7[%get3A_84], %gather3A_82 {add = true} : memref<10240xf32, #tpu.memory_space<vmem>>[vector<16xi32>], vector<16xf32>,
      %add3A_85 = arith.constant 64 : i32
      %add3A_86 = arith.addi %mul3A_58, %add3A_85 : i32
      %get3A_87 = arith.index_cast %add3A_86 : i32 to index
      %get3A_88 = tpu.vector_load %arg6[%get3A_87] {strides = array<i32>} : memref<20000xi32, #tpu.memory_space<vmem>>, vector<16xi32>,
      %gather3A_89 = tpu.vector_load_idx %arg9[%get3A_88] : memref<10240xf32, #tpu.memory_space<vmem>>[vector<16xi32>], vector<16xf32>,
      %get3A_90 = arith.index_cast %add3A_86 : i32 to index
      %get3A_91 = tpu.vector_load %arg5[%get3A_90] {strides = array<i32>} : memref<20000xi32, #tpu.memory_space<vmem>>, vector<16xi32>,
      tpu.vector_store_idx %arg7[%get3A_91], %gather3A_89 {add = true} : memref<10240xf32, #tpu.memory_space<vmem>>[vector<16xi32>], vector<16xf32>,
    }
    %scan3A_49 = arith.constant 250 : i32
    "tpu.region"() ({
      %run_scoped3A = tpu.sem_alloc : memref<!tpu.dma_semaphore, #tpu.memory_space<semaphore_mem>>
      %dma_start3A = arith.constant 0 : i32
      %dma_start3A_56 = tpu.memref_slice %arg13[%arg1, %dma_start3A] : memref<16x10240xf32, #tpu.memory_space<vmem_shared>> -> memref<1x10240xf32, #tpu.memory_space<vmem_shared>>
      %dma_start3A_57 = tpu.memref_squeeze %dma_start3A_56 : memref<1x10240xf32, #tpu.memory_space<vmem_shared>> -> memref<10240xf32, #tpu.memory_space<vmem_shared>>
      %dma_start3A_58 = arith.constant 0 : i32
      %dma_start3A_59 = tpu.memref_slice %arg13[%arg1, %dma_start3A_58] : memref<16x10240xf32, #tpu.memory_space<vmem_shared>> -> memref<1x10240xf32, #tpu.memory_space<vmem_shared>>
      %dma_start3A_60 = tpu.memref_squeeze %dma_start3A_59 : memref<1x10240xf32, #tpu.memory_space<vmem_shared>> -> memref<10240xf32, #tpu.memory_space<vmem_shared>>
      tpu.enqueue_dma source(%arg7 : memref<10240xf32, #tpu.memory_space<vmem>>) target(%dma_start3A_60 : memref<10240xf32, #tpu.memory_space<vmem_shared>>) target_semaphore(%run_scoped3A : memref<!tpu.dma_semaphore, #tpu.memory_space<semaphore_mem>>)
      %dma_wait3A = arith.constant 0 : i32
      %dma_wait3A_61 = tpu.memref_slice %arg13[%arg1, %dma_wait3A] : memref<16x10240xf32, #tpu.memory_space<vmem_shared>> -> memref<1x10240xf32, #tpu.memory_space<vmem_shared>>
      %dma_wait3A_62 = tpu.memref_squeeze %dma_wait3A_61 : memref<1x10240xf32, #tpu.memory_space<vmem_shared>> -> memref<10240xf32, #tpu.memory_space<vmem_shared>>
      %dma_wait3A_63 = arith.constant 0 : i32
      %dma_wait3A_64 = tpu.memref_slice %arg13[%arg1, %dma_wait3A_63] : memref<16x10240xf32, #tpu.memory_space<vmem_shared>> -> memref<1x10240xf32, #tpu.memory_space<vmem_shared>>
      %dma_wait3A_65 = tpu.memref_squeeze %dma_wait3A_64 : memref<1x10240xf32, #tpu.memory_space<vmem_shared>> -> memref<10240xf32, #tpu.memory_space<vmem_shared>>
      tpu.wait_dma2 semaphore(%run_scoped3A : memref<!tpu.dma_semaphore, #tpu.memory_space<semaphore_mem>>) src(%arg7 : memref<10240xf32, #tpu.memory_space<vmem>>) dst(%dma_wait3A_65 : memref<10240xf32, #tpu.memory_space<vmem_shared>>)
      tpu.yield
    }) : () -> ()
    %barrier3A_50 = arith.constant 0 : index
    tpu.barrier barrier_id(%barrier3A_50)
    "tpu.region"() ({
      %run_scoped3A = tpu.sem_alloc : memref<!tpu.dma_semaphore, #tpu.memory_space<semaphore_mem>>
      %dma_start3A = arith.constant 0 : i32
      %dma_start3A_56 = tpu.memref_slice %arg13[%dma_start3A, %mul3A_2] : memref<16x10240xf32, #tpu.memory_space<vmem_shared>> -> memref<16x640xf32, #tpu.memory_space<vmem_shared>>
      %dma_start3A_57 = arith.constant 0 : i32
      %dma_start3A_58 = tpu.memref_slice %arg13[%dma_start3A_57, %mul3A_2] : memref<16x10240xf32, #tpu.memory_space<vmem_shared>> -> memref<16x640xf32, #tpu.memory_space<vmem_shared>>
      tpu.enqueue_dma source(%dma_start3A_58 : memref<16x640xf32, #tpu.memory_space<vmem_shared>>) target(%arg10 : memref<16x640xf32, #tpu.memory_space<vmem>>) target_semaphore(%run_scoped3A : memref<!tpu.dma_semaphore, #tpu.memory_space<semaphore_mem>>)
      %dma_wait3A = arith.constant 0 : i32
      %dma_wait3A_59 = tpu.memref_slice %arg13[%dma_wait3A, %mul3A_2] : memref<16x10240xf32, #tpu.memory_space<vmem_shared>> -> memref<16x640xf32, #tpu.memory_space<vmem_shared>>
      %dma_wait3A_60 = arith.constant 0 : i32
      %dma_wait3A_61 = tpu.memref_slice %arg13[%dma_wait3A_60, %mul3A_2] : memref<16x10240xf32, #tpu.memory_space<vmem_shared>> -> memref<16x640xf32, #tpu.memory_space<vmem_shared>>
      tpu.wait_dma2 semaphore(%run_scoped3A : memref<!tpu.dma_semaphore, #tpu.memory_space<semaphore_mem>>) src(%dma_wait3A_61 : memref<16x640xf32, #tpu.memory_space<vmem_shared>>) dst(%arg10 : memref<16x640xf32, #tpu.memory_space<vmem>>)
      tpu.yield
    }) : () -> ()
    %scan3A_51 = arith.constant 0 : i32
    %scan3A_52 = arith.constant 40 : i32
    %scan3A_53 = arith.addi %scan3A_51, %scan3A_52 : i32
    %scan3A_54 = arith.constant 1 : i32
    scf.for %scan3A_56 = %scan3A_51 to %scan3A_53 step %scan3A_54  : i32 {
      %mul3A_57 = arith.constant 16 : i32
      %mul3A_58 = arith.muli %scan3A_56, %mul3A_57 : i32
      %get3A = arith.constant 0 : i32
      %get3A_59 = arith.index_cast %get3A : i32 to index
      %get3A_60 = arith.index_cast %mul3A_58 : i32 to index
      %get3A_61 = tpu.vector_load %arg10[%get3A_59, %get3A_60] {strides = array<i32>} : memref<16x640xf32, #tpu.memory_space<vmem>>, vector<16xf32>,
      %mul3A_62 = arith.constant 16 : i32
      %mul3A_63 = arith.muli %scan3A_56, %mul3A_62 : i32
      %get3A_64 = arith.constant 1 : i32
      %get3A_65 = arith.index_cast %get3A_64 : i32 to index
      %get3A_66 = arith.index_cast %mul3A_63 : i32 to index
      %get3A_67 = tpu.vector_load %arg10[%get3A_65, %get3A_66] {strides = array<i32>} : memref<16x640xf32, #tpu.memory_space<vmem>>, vector<16xf32>,
      %add3A_68 = arith.addf %get3A_61, %get3A_67 : vector<16xf32>
      %mul3A_69 = arith.constant 16 : i32
      %mul3A_70 = arith.muli %scan3A_56, %mul3A_69 : i32
      %get3A_71 = arith.constant 2 : i32
      %get3A_72 = arith.index_cast %get3A_71 : i32 to index
      %get3A_73 = arith.index_cast %mul3A_70 : i32 to index
      %get3A_74 = tpu.vector_load %arg10[%get3A_72, %get3A_73] {strides = array<i32>} : memref<16x640xf32, #tpu.memory_space<vmem>>, vector<16xf32>,
      %add3A_75 = arith.addf %add3A_68, %get3A_74 : vector<16xf32>
      %mul3A_76 = arith.constant 16 : i32
      %mul3A_77 = arith.muli %scan3A_56, %mul3A_76 : i32
      %get3A_78 = arith.constant 3 : i32
      %get3A_79 = arith.index_cast %get3A_78 : i32 to index
      %get3A_80 = arith.index_cast %mul3A_77 : i32 to index
      %get3A_81 = tpu.vector_load %arg10[%get3A_79, %get3A_80] {strides = array<i32>} : memref<16x640xf32, #tpu.memory_space<vmem>>, vector<16xf32>,
      %add3A_82 = arith.addf %add3A_75, %get3A_81 : vector<16xf32>
      %mul3A_83 = arith.constant 16 : i32
      %mul3A_84 = arith.muli %scan3A_56, %mul3A_83 : i32
      %get3A_85 = arith.constant 4 : i32
      %get3A_86 = arith.index_cast %get3A_85 : i32 to index
      %get3A_87 = arith.index_cast %mul3A_84 : i32 to index
      %get3A_88 = tpu.vector_load %arg10[%get3A_86, %get3A_87] {strides = array<i32>} : memref<16x640xf32, #tpu.memory_space<vmem>>, vector<16xf32>,
      %add3A_89 = arith.addf %add3A_82, %get3A_88 : vector<16xf32>
      %mul3A_90 = arith.constant 16 : i32
      %mul3A_91 = arith.muli %scan3A_56, %mul3A_90 : i32
      %get3A_92 = arith.constant 5 : i32
      %get3A_93 = arith.index_cast %get3A_92 : i32 to index
      %get3A_94 = arith.index_cast %mul3A_91 : i32 to index
      %get3A_95 = tpu.vector_load %arg10[%get3A_93, %get3A_94] {strides = array<i32>} : memref<16x640xf32, #tpu.memory_space<vmem>>, vector<16xf32>,
      %add3A_96 = arith.addf %add3A_89, %get3A_95 : vector<16xf32>
      %mul3A_97 = arith.constant 16 : i32
      %mul3A_98 = arith.muli %scan3A_56, %mul3A_97 : i32
      %get3A_99 = arith.constant 6 : i32
      %get3A_100 = arith.index_cast %get3A_99 : i32 to index
      %get3A_101 = arith.index_cast %mul3A_98 : i32 to index
      %get3A_102 = tpu.vector_load %arg10[%get3A_100, %get3A_101] {strides = array<i32>} : memref<16x640xf32, #tpu.memory_space<vmem>>, vector<16xf32>,
      %add3A_103 = arith.addf %add3A_96, %get3A_102 : vector<16xf32>
      %mul3A_104 = arith.constant 16 : i32
      %mul3A_105 = arith.muli %scan3A_56, %mul3A_104 : i32
      %get3A_106 = arith.constant 7 : i32
      %get3A_107 = arith.index_cast %get3A_106 : i32 to index
      %get3A_108 = arith.index_cast %mul3A_105 : i32 to index
      %get3A_109 = tpu.vector_load %arg10[%get3A_107, %get3A_108] {strides = array<i32>} : memref<16x640xf32, #tpu.memory_space<vmem>>, vector<16xf32>,
      %add3A_110 = arith.addf %add3A_103, %get3A_109 : vector<16xf32>
      %mul3A_111 = arith.constant 16 : i32
      %mul3A_112 = arith.muli %scan3A_56, %mul3A_111 : i32
      %get3A_113 = arith.constant 8 : i32
      %get3A_114 = arith.index_cast %get3A_113 : i32 to index
      %get3A_115 = arith.index_cast %mul3A_112 : i32 to index
      %get3A_116 = tpu.vector_load %arg10[%get3A_114, %get3A_115] {strides = array<i32>} : memref<16x640xf32, #tpu.memory_space<vmem>>, vector<16xf32>,
      %add3A_117 = arith.addf %add3A_110, %get3A_116 : vector<16xf32>
      %mul3A_118 = arith.constant 16 : i32
      %mul3A_119 = arith.muli %scan3A_56, %mul3A_118 : i32
      %get3A_120 = arith.constant 9 : i32
      %get3A_121 = arith.index_cast %get3A_120 : i32 to index
      %get3A_122 = arith.index_cast %mul3A_119 : i32 to index
      %get3A_123 = tpu.vector_load %arg10[%get3A_121, %get3A_122] {strides = array<i32>} : memref<16x640xf32, #tpu.memory_space<vmem>>, vector<16xf32>,
      %add3A_124 = arith.addf %add3A_117, %get3A_123 : vector<16xf32>
      %mul3A_125 = arith.constant 16 : i32
      %mul3A_126 = arith.muli %scan3A_56, %mul3A_125 : i32
      %get3A_127 = arith.constant 10 : i32
      %get3A_128 = arith.index_cast %get3A_127 : i32 to index
      %get3A_129 = arith.index_cast %mul3A_126 : i32 to index
      %get3A_130 = tpu.vector_load %arg10[%get3A_128, %get3A_129] {strides = array<i32>} : memref<16x640xf32, #tpu.memory_space<vmem>>, vector<16xf32>,
      %add3A_131 = arith.addf %add3A_124, %get3A_130 : vector<16xf32>
      %mul3A_132 = arith.constant 16 : i32
      %mul3A_133 = arith.muli %scan3A_56, %mul3A_132 : i32
      %get3A_134 = arith.constant 11 : i32
      %get3A_135 = arith.index_cast %get3A_134 : i32 to index
      %get3A_136 = arith.index_cast %mul3A_133 : i32 to index
      %get3A_137 = tpu.vector_load %arg10[%get3A_135, %get3A_136] {strides = array<i32>} : memref<16x640xf32, #tpu.memory_space<vmem>>, vector<16xf32>,
      %add3A_138 = arith.addf %add3A_131, %get3A_137 : vector<16xf32>
      %mul3A_139 = arith.constant 16 : i32
      %mul3A_140 = arith.muli %scan3A_56, %mul3A_139 : i32
      %get3A_141 = arith.constant 12 : i32
      %get3A_142 = arith.index_cast %get3A_141 : i32 to index
      %get3A_143 = arith.index_cast %mul3A_140 : i32 to index
      %get3A_144 = tpu.vector_load %arg10[%get3A_142, %get3A_143] {strides = array<i32>} : memref<16x640xf32, #tpu.memory_space<vmem>>, vector<16xf32>,
      %add3A_145 = arith.addf %add3A_138, %get3A_144 : vector<16xf32>
      %mul3A_146 = arith.constant 16 : i32
      %mul3A_147 = arith.muli %scan3A_56, %mul3A_146 : i32
      %get3A_148 = arith.constant 13 : i32
      %get3A_149 = arith.index_cast %get3A_148 : i32 to index
      %get3A_150 = arith.index_cast %mul3A_147 : i32 to index
      %get3A_151 = tpu.vector_load %arg10[%get3A_149, %get3A_150] {strides = array<i32>} : memref<16x640xf32, #tpu.memory_space<vmem>>, vector<16xf32>,
      %add3A_152 = arith.addf %add3A_145, %get3A_151 : vector<16xf32>
      %mul3A_153 = arith.constant 16 : i32
      %mul3A_154 = arith.muli %scan3A_56, %mul3A_153 : i32
      %get3A_155 = arith.constant 14 : i32
      %get3A_156 = arith.index_cast %get3A_155 : i32 to index
      %get3A_157 = arith.index_cast %mul3A_154 : i32 to index
      %get3A_158 = tpu.vector_load %arg10[%get3A_156, %get3A_157] {strides = array<i32>} : memref<16x640xf32, #tpu.memory_space<vmem>>, vector<16xf32>,
      %add3A_159 = arith.addf %add3A_152, %get3A_158 : vector<16xf32>
      %mul3A_160 = arith.constant 16 : i32
      %mul3A_161 = arith.muli %scan3A_56, %mul3A_160 : i32
      %get3A_162 = arith.constant 15 : i32
      %get3A_163 = arith.index_cast %get3A_162 : i32 to index
      %get3A_164 = arith.index_cast %mul3A_161 : i32 to index
      %get3A_165 = tpu.vector_load %arg10[%get3A_163, %get3A_164] {strides = array<i32>} : memref<16x640xf32, #tpu.memory_space<vmem>>, vector<16xf32>,
      %add3A_166 = arith.addf %add3A_159, %get3A_165 : vector<16xf32>
      %mul3A_167 = arith.constant 16 : i32
      %mul3A_168 = arith.muli %scan3A_56, %mul3A_167 : i32
      %add3A_169 = arith.addi %mul3A_2, %mul3A_168 : i32
      %get3A_170 = arith.index_cast %add3A_169 : i32 to index
      %get3A_171 = tpu.vector_load %arg8[%get3A_170] {strides = array<i32>} : memref<10240xf32, #tpu.memory_space<vmem>>, vector<16xf32>,
      %mul3A_172 = arith.constant 16 : i32
      %mul3A_173 = arith.muli %scan3A_56, %mul3A_172 : i32
      %add3A_174 = arith.addi %mul3A_2, %mul3A_173 : i32
      %get3A_175 = arith.index_cast %add3A_174 : i32 to index
      %get3A_176 = tpu.vector_load %arg9[%get3A_175] {strides = array<i32>} : memref<10240xf32, #tpu.memory_space<vmem>>, vector<16xf32>,
      %add3A_177 = arith.addf %get3A_176, %add3A_166 : vector<16xf32>
      %mul3A_178 = arith.mulf %get3A_171, %add3A_177 : vector<16xf32>
      %mul3A_179 = arith.constant 16 : i32
      %mul3A_180 = arith.muli %scan3A_56, %mul3A_179 : i32
      %add3A_181 = arith.addi %mul3A_2, %mul3A_180 : i32
      %add3A_182 = vector.broadcast %add3A_181 : i32 to vector<16xi32>
      %add3A_183 = arith.addi %add3A_182, %iota3A : vector<16xi32>
      %lt3A = arith.constant 10000 : i32
      %lt3A_184 = vector.broadcast %lt3A : i32 to vector<16xi32>
      %lt3A_185 = arith.cmpi slt, %add3A_183, %lt3A_184 : vector<16xi32>
      %jit3A = arith.constant 0.000000e+00 : f32
      %broadcast_in_dim3A_186 = vector.broadcast %jit3A : f32 to vector<16xf32>
      %select_n3A = arith.select %lt3A_185, %mul3A_178, %broadcast_in_dim3A_186 : vector<16xi1>, vector<16xf32>
      %mul3A_187 = arith.constant 16 : i32
      %mul3A_188 = arith.muli %scan3A_56, %mul3A_187 : i32
      %swap3A_189 = arith.index_cast %mul3A_188 : i32 to index
      %swap3A_190 = tpu.vector_load %arg11[%swap3A_189] {strides = array<i32>} : memref<640xf32, #tpu.memory_space<vmem>>, vector<16xf32>,
      tpu.vector_store %arg11[%swap3A_189], %select_n3A {strides = array<i32>} : memref<640xf32, #tpu.memory_space<vmem>>, vector<16xf32>,
    }
    %scan3A_55 = arith.constant 40 : i32
    "tpu.region"() ({
      %run_scoped3A = tpu.sem_alloc : memref<!tpu.dma_semaphore, #tpu.memory_space<semaphore_mem>>
      %dma_start3A = tpu.memref_slice %arg3[%mul3A_2] : memref<10240xf32, #tpu.memory_space<hbm>> -> memref<640xf32, #tpu.memory_space<hbm>>
      %dma_start3A_56 = tpu.memref_slice %arg3[%mul3A_2] : memref<10240xf32, #tpu.memory_space<hbm>> -> memref<640xf32, #tpu.memory_space<hbm>>
      tpu.enqueue_dma source(%arg11 : memref<640xf32, #tpu.memory_space<vmem>>) target(%dma_start3A_56 : memref<640xf32, #tpu.memory_space<hbm>>) target_semaphore(%run_scoped3A : memref<!tpu.dma_semaphore, #tpu.memory_space<semaphore_mem>>)
      %dma_wait3A = tpu.memref_slice %arg3[%mul3A_2] : memref<10240xf32, #tpu.memory_space<hbm>> -> memref<640xf32, #tpu.memory_space<hbm>>
      %dma_wait3A_57 = tpu.memref_slice %arg3[%mul3A_2] : memref<10240xf32, #tpu.memory_space<hbm>> -> memref<640xf32, #tpu.memory_space<hbm>>
      tpu.wait_dma2 semaphore(%run_scoped3A : memref<!tpu.dma_semaphore, #tpu.memory_space<semaphore_mem>>) src(%arg11 : memref<640xf32, #tpu.memory_space<vmem>>) dst(%dma_wait3A_57 : memref<640xf32, #tpu.memory_space<hbm>>)
      tpu.yield
    }) : () -> ()
    return
  }
}

module attributes {stable_mosaic.version = 14 : i64} {
  func.func @_tc_body(%arg0: memref<1x10000xf32, #tpu.memory_space<vmem>>, %arg1: memref<10000x128xf32, #tpu.memory_space<vmem>>, %arg2: memref<16x16xf32, #tpu.memory_space<vmem>>, %arg3: memref<1024x128xf32, #tpu.memory_space<vmem>>, %arg4: memref<1024x1xi32, #tpu.memory_space<vmem>>, %arg5: memref<128x64xf32, #tpu.memory_space<vmem>>, %arg6: memref<1x64xf32, #tpu.memory_space<vmem>>, %arg7: memref<64x128xf32, #tpu.memory_space<vmem>>, %arg8: memref<1x128xf32, #tpu.memory_space<vmem>>, %arg9: memref<128x256xf32, #tpu.memory_space<vmem>>, %arg10: memref<128x256xf32, #tpu.memory_space<vmem>>, %arg11: memref<1x256xf32, #tpu.memory_space<vmem>>, %arg12: memref<256x256xf32, #tpu.memory_space<vmem>>, %arg13: memref<1x256xf32, #tpu.memory_space<vmem>>, %arg14: memref<256x48xf32, #tpu.memory_space<vmem>>, %arg15: memref<1x48xf32, #tpu.memory_space<vmem>>, %arg16: memref<128x256xf32, #tpu.memory_space<vmem>>, %arg17: memref<128x256xf32, #tpu.memory_space<vmem>>, %arg18: memref<1x256xf32, #tpu.memory_space<vmem>>, %arg19: memref<256x256xf32, #tpu.memory_space<vmem>>, %arg20: memref<1x256xf32, #tpu.memory_space<vmem>>, %arg21: memref<256x1xf32, #tpu.memory_space<vmem>>, %arg22: memref<1x1xf32, #tpu.memory_space<vmem>>, %arg23: memref<1024x1xf32, #tpu.memory_space<vmem>>, %arg24: memref<1024x1xf32, #tpu.memory_space<vmem>>, %arg25: memref<1024x1xf32, #tpu.memory_space<vmem>>) attributes {dimension_semantics = [], scalar_prefetch = 0 : i64, scratch_operands = 0 : i64, tpu.core_type = #tpu.core_type<tc>} {
    %get3A = arith.constant 0 : index
    %get3A_0 = arith.constant 0 : index
    %get3A_1 = vector.load %arg0[%get3A, %get3A_0] : memref<1x10000xf32, #tpu.memory_space<vmem>>, vector<1x10000xf32>
    %get3A_2 = arith.constant 0 : index
    %get3A_3 = arith.constant 0 : index
    %get3A_4 = vector.load %arg1[%get3A_2, %get3A_3] : memref<10000x128xf32, #tpu.memory_space<vmem>>, vector<10000x128xf32>
    %dot_general3A = arith.constant dense<0.000000e+00> : vector<1x128xf32>
    %dot_general3A_5 = tpu.matmul %get3A_1, %get3A_4, %dot_general3A {dimension_numbers = #tpu.dot_dimension_numbers<[1], [0], [0], [1], [0, 0, 1, 1], [], []>, precision = #tpu.contract_precision<fp32>, transpose_lhs_hint = false} : vector<1x10000xf32>, vector<10000x128xf32>, vector<1x128xf32> -> vector<1x128xf32>
    %get3A_6 = arith.constant 0 : index
    %get3A_7 = arith.constant 0 : index
    %get3A_8 = vector.load %arg2[%get3A_6, %get3A_7] : memref<16x16xf32, #tpu.memory_space<vmem>>, vector<16x16xf32>
    %reduce_sum3A = vector.shape_cast %get3A_8 : vector<16x16xf32> to vector<1x16x16xf32>
    %reduce_sum3A_9 = arith.constant dense<0.000000e+00> : vector<1xf32>
    %reduce_sum3A_10 = vector.multi_reduction <add>, %reduce_sum3A, %reduce_sum3A_9 [1, 2] : vector<1x16x16xf32> to vector<1xf32>
    %reduce_sum3A_11 = vector.shape_cast %reduce_sum3A_10 : vector<1xf32> to vector<1x1x1xf32>
    %reduce_sum3A_12 = vector.extract %reduce_sum3A_11[0, 0, 0] : f32 from vector<1x1x1xf32>
    %get3A_13 = arith.constant 0 : index
    %get3A_14 = arith.constant 0 : index
    %get3A_15 = vector.load %arg5[%get3A_13, %get3A_14] : memref<128x64xf32, #tpu.memory_space<vmem>>, vector<128x64xf32>
    %dot_general3A_16 = arith.constant dense<0.000000e+00> : vector<1x64xf32>
    %dot_general3A_17 = tpu.matmul %dot_general3A_5, %get3A_15, %dot_general3A_16 {dimension_numbers = #tpu.dot_dimension_numbers<[1], [0], [0], [1], [0, 0, 1, 1], [], []>, precision = #tpu.contract_precision<fp32>, transpose_lhs_hint = false} : vector<1x128xf32>, vector<128x64xf32>, vector<1x64xf32> -> vector<1x64xf32>
    %get3A_18 = arith.constant 0 : index
    %get3A_19 = arith.constant 0 : index
    %get3A_20 = vector.load %arg6[%get3A_18, %get3A_19] : memref<1x64xf32, #tpu.memory_space<vmem>>, vector<1x64xf32>
    %mul3A = vector.broadcast %reduce_sum3A_12 : f32 to vector<1x64xf32>
    %mul3A_21 = arith.mulf %mul3A, %get3A_20 : vector<1x64xf32>
    %add3A = arith.addf %dot_general3A_17, %mul3A_21 : vector<1x64xf32>
    %get3A_22 = arith.constant 0 : index
    %get3A_23 = arith.constant 0 : index
    %get3A_24 = vector.load %arg7[%get3A_22, %get3A_23] : memref<64x128xf32, #tpu.memory_space<vmem>>, vector<64x128xf32>
    %dot_general3A_25 = arith.constant dense<0.000000e+00> : vector<1x128xf32>
    %dot_general3A_26 = tpu.matmul %add3A, %get3A_24, %dot_general3A_25 {dimension_numbers = #tpu.dot_dimension_numbers<[1], [0], [0], [1], [0, 0, 1, 1], [], []>, precision = #tpu.contract_precision<fp32>, transpose_lhs_hint = false} : vector<1x64xf32>, vector<64x128xf32>, vector<1x128xf32> -> vector<1x128xf32>
    %mul3A_27 = arith.constant 9.99999974E-5 : f32
    %mul3A_28 = vector.broadcast %mul3A_27 : f32 to vector<1x128xf32>
    %mul3A_29 = arith.mulf %dot_general3A_26, %mul3A_28 : vector<1x128xf32>
    %get3A_30 = arith.constant 0 : index
    %get3A_31 = arith.constant 0 : index
    %get3A_32 = vector.load %arg8[%get3A_30, %get3A_31] : memref<1x128xf32, #tpu.memory_space<vmem>>, vector<1x128xf32>
    %add3A_33 = arith.addf %mul3A_29, %get3A_32 : vector<1x128xf32>
    %get3A_34 = arith.constant 0 : index
    %get3A_35 = arith.constant 0 : index
    %get3A_36 = vector.load %arg3[%get3A_34, %get3A_35] : memref<1024x128xf32, #tpu.memory_space<vmem>>, vector<1024x128xf32>
    %get3A_37 = arith.constant 0 : index
    %get3A_38 = arith.constant 0 : index
    %get3A_39 = vector.load %arg9[%get3A_37, %get3A_38] : memref<128x256xf32, #tpu.memory_space<vmem>>, vector<128x256xf32>
    %dot_general3A_40 = arith.constant dense<0.000000e+00> : vector<1024x256xf32>
    %dot_general3A_41 = tpu.matmul %get3A_36, %get3A_39, %dot_general3A_40 {dimension_numbers = #tpu.dot_dimension_numbers<[1], [0], [0], [1], [0, 0, 1, 1], [], []>, precision = #tpu.contract_precision<fp32>, transpose_lhs_hint = false} : vector<1024x128xf32>, vector<128x256xf32>, vector<1024x256xf32> -> vector<1024x256xf32>
    %get3A_42 = arith.constant 0 : index
    %get3A_43 = arith.constant 0 : index
    %get3A_44 = vector.load %arg10[%get3A_42, %get3A_43] : memref<128x256xf32, #tpu.memory_space<vmem>>, vector<128x256xf32>
    %dot_general3A_45 = arith.constant dense<0.000000e+00> : vector<1x256xf32>
    %dot_general3A_46 = tpu.matmul %add3A_33, %get3A_44, %dot_general3A_45 {dimension_numbers = #tpu.dot_dimension_numbers<[1], [0], [0], [1], [0, 0, 1, 1], [], []>, precision = #tpu.contract_precision<fp32>, transpose_lhs_hint = false} : vector<1x128xf32>, vector<128x256xf32>, vector<1x256xf32> -> vector<1x256xf32>
    %add3A_47 = vector.broadcast %dot_general3A_46 : vector<1x256xf32> to vector<1024x256xf32>
    %add3A_48 = arith.addf %dot_general3A_41, %add3A_47 : vector<1024x256xf32>
    %get3A_49 = arith.constant 0 : index
    %get3A_50 = arith.constant 0 : index
    %get3A_51 = vector.load %arg11[%get3A_49, %get3A_50] : memref<1x256xf32, #tpu.memory_space<vmem>>, vector<1x256xf32>
    %add3A_52 = vector.broadcast %get3A_51 : vector<1x256xf32> to vector<1024x256xf32>
    %add3A_53 = arith.addf %add3A_48, %add3A_52 : vector<1024x256xf32>
    %tanh3A = math.tanh %add3A_53 : vector<1024x256xf32>
    %get3A_54 = arith.constant 0 : index
    %get3A_55 = arith.constant 0 : index
    %get3A_56 = vector.load %arg12[%get3A_54, %get3A_55] : memref<256x256xf32, #tpu.memory_space<vmem>>, vector<256x256xf32>
    %dot_general3A_57 = arith.constant dense<0.000000e+00> : vector<1024x256xf32>
    %dot_general3A_58 = tpu.matmul %tanh3A, %get3A_56, %dot_general3A_57 {dimension_numbers = #tpu.dot_dimension_numbers<[1], [0], [0], [1], [0, 0, 1, 1], [], []>, precision = #tpu.contract_precision<fp32>, transpose_lhs_hint = false} : vector<1024x256xf32>, vector<256x256xf32>, vector<1024x256xf32> -> vector<1024x256xf32>
    %get3A_59 = arith.constant 0 : index
    %get3A_60 = arith.constant 0 : index
    %get3A_61 = vector.load %arg13[%get3A_59, %get3A_60] : memref<1x256xf32, #tpu.memory_space<vmem>>, vector<1x256xf32>
    %add3A_62 = vector.broadcast %get3A_61 : vector<1x256xf32> to vector<1024x256xf32>
    %add3A_63 = arith.addf %dot_general3A_58, %add3A_62 : vector<1024x256xf32>
    %tanh3A_64 = math.tanh %add3A_63 : vector<1024x256xf32>
    %get3A_65 = arith.constant 0 : index
    %get3A_66 = arith.constant 0 : index
    %get3A_67 = vector.load %arg14[%get3A_65, %get3A_66] : memref<256x48xf32, #tpu.memory_space<vmem>>, vector<256x48xf32>
    %dot_general3A_68 = arith.constant dense<0.000000e+00> : vector<1024x48xf32>
    %dot_general3A_69 = tpu.matmul %tanh3A_64, %get3A_67, %dot_general3A_68 {dimension_numbers = #tpu.dot_dimension_numbers<[1], [0], [0], [1], [0, 0, 1, 1], [], []>, precision = #tpu.contract_precision<fp32>, transpose_lhs_hint = false} : vector<1024x256xf32>, vector<256x48xf32>, vector<1024x48xf32> -> vector<1024x48xf32>
    %get3A_70 = arith.constant 0 : index
    %get3A_71 = arith.constant 0 : index
    %get3A_72 = vector.load %arg15[%get3A_70, %get3A_71] : memref<1x48xf32, #tpu.memory_space<vmem>>, vector<1x48xf32>
    %add3A_73 = vector.broadcast %get3A_72 : vector<1x48xf32> to vector<1024x48xf32>
    %add3A_74 = arith.addf %dot_general3A_69, %add3A_73 : vector<1024x48xf32>
    %reduce_max3A = arith.constant dense<0xFF800000> : vector<1024xf32>
    %reduce_max3A_75 = vector.multi_reduction <maximumf>, %add3A_74, %reduce_max3A [1] : vector<1024x48xf32> to vector<1024xf32>
    %broadcast_in_dim3A = vector.shape_cast %reduce_max3A_75 : vector<1024xf32> to vector<1024x1xf32>
    %sub3A = vector.broadcast %broadcast_in_dim3A : vector<1024x1xf32> to vector<1024x48xf32>
    %sub3A_76 = arith.subf %add3A_74, %sub3A : vector<1024x48xf32>
    %exp3A = math.exp %sub3A_76 : vector<1024x48xf32>
    %reduce_sum3A_77 = arith.constant dense<0.000000e+00> : vector<1024xf32>
    %reduce_sum3A_78 = vector.multi_reduction <add>, %exp3A, %reduce_sum3A_77 [1] : vector<1024x48xf32> to vector<1024xf32>
    %broadcast_in_dim3A_79 = vector.shape_cast %reduce_sum3A_78 : vector<1024xf32> to vector<1024x1xf32>
    %sub3A_80 = vector.broadcast %broadcast_in_dim3A : vector<1024x1xf32> to vector<1024x48xf32>
    %sub3A_81 = arith.subf %add3A_74, %sub3A_80 : vector<1024x48xf32>
    %log3A = math.log %broadcast_in_dim3A_79 : vector<1024x1xf32>
    %sub3A_82 = vector.broadcast %log3A : vector<1024x1xf32> to vector<1024x48xf32>
    %sub3A_83 = arith.subf %sub3A_81, %sub3A_82 : vector<1024x48xf32>
    %iota3A = tpu.iota {dimensions = array<i32: 1>} : vector<1024x48xi32>
    %get3A_84 = arith.constant 0 : index
    %get3A_85 = arith.constant 0 : index
    %get3A_86 = vector.load %arg4[%get3A_84, %get3A_85] : memref<1024x1xi32, #tpu.memory_space<vmem>>, vector<1024x1xi32>
    %eq3A = vector.broadcast %get3A_86 : vector<1024x1xi32> to vector<1024x48xi32>
    %eq3A_87 = arith.cmpi eq, %iota3A, %eq3A : vector<1024x48xi32>
    %jit3A = arith.constant 0.000000e+00 : f32
    %broadcast_in_dim3A_88 = vector.broadcast %jit3A : f32 to vector<1024x48xf32>
    %select_n3A = arith.select %eq3A_87, %sub3A_83, %broadcast_in_dim3A_88 : vector<1024x48xi1>, vector<1024x48xf32>
    %reduce_sum3A_89 = arith.constant dense<0.000000e+00> : vector<1024xf32>
    %reduce_sum3A_90 = vector.multi_reduction <add>, %select_n3A, %reduce_sum3A_89 [1] : vector<1024x48xf32> to vector<1024xf32>
    %broadcast_in_dim3A_91 = vector.shape_cast %reduce_sum3A_90 : vector<1024xf32> to vector<1024x1xf32>
    %swap3A = arith.constant 0 : index
    %swap3A_92 = arith.constant 0 : index
    %swap3A_93 = vector.load %arg23[%swap3A, %swap3A_92] : memref<1024x1xf32, #tpu.memory_space<vmem>>, vector<1024x1xf32>
    tpu.vector_store %arg23[%swap3A, %swap3A_92], %broadcast_in_dim3A_91 {strides = array<i32>} : memref<1024x1xf32, #tpu.memory_space<vmem>>, vector<1024x1xf32>,
    %div3A = vector.broadcast %broadcast_in_dim3A_79 : vector<1024x1xf32> to vector<1024x48xf32>
    %div3A_94 = arith.divf %exp3A, %div3A : vector<1024x48xf32>
    %mul3A_95 = arith.mulf %div3A_94, %sub3A_83 : vector<1024x48xf32>
    %reduce_sum3A_96 = arith.constant dense<0.000000e+00> : vector<1024xf32>
    %reduce_sum3A_97 = vector.multi_reduction <add>, %mul3A_95, %reduce_sum3A_96 [1] : vector<1024x48xf32> to vector<1024xf32>
    %broadcast_in_dim3A_98 = vector.shape_cast %reduce_sum3A_97 : vector<1024xf32> to vector<1024x1xf32>
    %neg3A = arith.constant 0.000000e+00 : f32
    %neg3A_99 = vector.broadcast %neg3A : f32 to vector<1024x1xf32>
    %neg3A_100 = arith.subf %neg3A_99, %broadcast_in_dim3A_98 : vector<1024x1xf32>
    %swap3A_101 = arith.constant 0 : index
    %swap3A_102 = arith.constant 0 : index
    %swap3A_103 = vector.load %arg25[%swap3A_101, %swap3A_102] : memref<1024x1xf32, #tpu.memory_space<vmem>>, vector<1024x1xf32>
    tpu.vector_store %arg25[%swap3A_101, %swap3A_102], %neg3A_100 {strides = array<i32>} : memref<1024x1xf32, #tpu.memory_space<vmem>>, vector<1024x1xf32>,
    %get3A_104 = arith.constant 0 : index
    %get3A_105 = arith.constant 0 : index
    %get3A_106 = vector.load %arg16[%get3A_104, %get3A_105] : memref<128x256xf32, #tpu.memory_space<vmem>>, vector<128x256xf32>
    %dot_general3A_107 = arith.constant dense<0.000000e+00> : vector<1024x256xf32>
    %dot_general3A_108 = tpu.matmul %get3A_36, %get3A_106, %dot_general3A_107 {dimension_numbers = #tpu.dot_dimension_numbers<[1], [0], [0], [1], [0, 0, 1, 1], [], []>, precision = #tpu.contract_precision<fp32>, transpose_lhs_hint = false} : vector<1024x128xf32>, vector<128x256xf32>, vector<1024x256xf32> -> vector<1024x256xf32>
    %get3A_109 = arith.constant 0 : index
    %get3A_110 = arith.constant 0 : index
    %get3A_111 = vector.load %arg17[%get3A_109, %get3A_110] : memref<128x256xf32, #tpu.memory_space<vmem>>, vector<128x256xf32>
    %dot_general3A_112 = arith.constant dense<0.000000e+00> : vector<1x256xf32>
    %dot_general3A_113 = tpu.matmul %add3A_33, %get3A_111, %dot_general3A_112 {dimension_numbers = #tpu.dot_dimension_numbers<[1], [0], [0], [1], [0, 0, 1, 1], [], []>, precision = #tpu.contract_precision<fp32>, transpose_lhs_hint = false} : vector<1x128xf32>, vector<128x256xf32>, vector<1x256xf32> -> vector<1x256xf32>
    %add3A_114 = vector.broadcast %dot_general3A_113 : vector<1x256xf32> to vector<1024x256xf32>
    %add3A_115 = arith.addf %dot_general3A_108, %add3A_114 : vector<1024x256xf32>
    %get3A_116 = arith.constant 0 : index
    %get3A_117 = arith.constant 0 : index
    %get3A_118 = vector.load %arg18[%get3A_116, %get3A_117] : memref<1x256xf32, #tpu.memory_space<vmem>>, vector<1x256xf32>
    %add3A_119 = vector.broadcast %get3A_118 : vector<1x256xf32> to vector<1024x256xf32>
    %add3A_120 = arith.addf %add3A_115, %add3A_119 : vector<1024x256xf32>
    %tanh3A_121 = math.tanh %add3A_120 : vector<1024x256xf32>
    %get3A_122 = arith.constant 0 : index
    %get3A_123 = arith.constant 0 : index
    %get3A_124 = vector.load %arg19[%get3A_122, %get3A_123] : memref<256x256xf32, #tpu.memory_space<vmem>>, vector<256x256xf32>
    %dot_general3A_125 = arith.constant dense<0.000000e+00> : vector<1024x256xf32>
    %dot_general3A_126 = tpu.matmul %tanh3A_121, %get3A_124, %dot_general3A_125 {dimension_numbers = #tpu.dot_dimension_numbers<[1], [0], [0], [1], [0, 0, 1, 1], [], []>, precision = #tpu.contract_precision<fp32>, transpose_lhs_hint = false} : vector<1024x256xf32>, vector<256x256xf32>, vector<1024x256xf32> -> vector<1024x256xf32>
    %get3A_127 = arith.constant 0 : index
    %get3A_128 = arith.constant 0 : index
    %get3A_129 = vector.load %arg20[%get3A_127, %get3A_128] : memref<1x256xf32, #tpu.memory_space<vmem>>, vector<1x256xf32>
    %add3A_130 = vector.broadcast %get3A_129 : vector<1x256xf32> to vector<1024x256xf32>
    %add3A_131 = arith.addf %dot_general3A_126, %add3A_130 : vector<1024x256xf32>
    %tanh3A_132 = math.tanh %add3A_131 : vector<1024x256xf32>
    %get3A_133 = arith.constant 0 : index
    %get3A_134 = arith.constant 0 : index
    %get3A_135 = vector.load %arg21[%get3A_133, %get3A_134] : memref<256x1xf32, #tpu.memory_space<vmem>>, vector<256x1xf32>
    %dot_general3A_136 = arith.constant dense<0.000000e+00> : vector<1024x1xf32>
    %dot_general3A_137 = tpu.matmul %tanh3A_132, %get3A_135, %dot_general3A_136 {dimension_numbers = #tpu.dot_dimension_numbers<[1], [0], [0], [1], [0, 0, 1, 1], [], []>, precision = #tpu.contract_precision<fp32>, transpose_lhs_hint = false} : vector<1024x256xf32>, vector<256x1xf32>, vector<1024x1xf32> -> vector<1024x1xf32>
    %get3A_138 = arith.constant 0 : index
    %get3A_139 = arith.constant 0 : index
    %get3A_140 = vector.load %arg22[%get3A_138, %get3A_139] : memref<1x1xf32, #tpu.memory_space<vmem>>, vector<1x1xf32>
    %add3A_141 = vector.broadcast %get3A_140 : vector<1x1xf32> to vector<1024x1xf32>
    %add3A_142 = arith.addf %dot_general3A_137, %add3A_141 : vector<1024x1xf32>
    %swap3A_143 = arith.constant 0 : index
    %swap3A_144 = arith.constant 0 : index
    %swap3A_145 = vector.load %arg24[%swap3A_143, %swap3A_144] : memref<1024x1xf32, #tpu.memory_space<vmem>>, vector<1024x1xf32>
    tpu.vector_store %arg24[%swap3A_143, %swap3A_144], %add3A_142 {strides = array<i32>} : memref<1024x1xf32, #tpu.memory_space<vmem>>, vector<1024x1xf32>,
    return
  }
}

</mosaic_0001>

<sc_bundles>
// kernel: kernel.4.cloned.1.call-start
scs
__scs_entry_jumppad:
0x0: {  	(pc) =	sbr.rel $0x88, $3  }
0x1: {  	(tag) =	ssettag $0x0;
	lr =	simm.s32 $0x1  }
0x2: {  	[smem:$0x3F8D] =	sst lr;
	_ =	strace $0xD0000000  }
0x3: {  	_ = 	snop  }
0x4: {  	_ = 	snop  }
0x5: {  	_ = 	snop  }
0x6: {  	_ = 	snop  }
0x7: {  	_ = 	snop  }
__scs_overlays_trampoline_lowered:
0x8: {  	[smem:$0x3F9C] =	sst s0  }
0x9: {  	[smem:$0x3F9D] =	sst s1  }
0xa: {  	[smem:$0x3F9E] =	sst s2  }
0xb: {  	[smem:$0x3F9F] =	sst s3  }
0xc: {  	[smem:$0x3FA0] =	sst s4  }
0xd: {  	[smem:$0x3FA1] =	sst s5  }
0xe: {  	[smem:$0x3FA2] =	sst s6  }
0xf: {  	[smem:$0x3FA3] =	sst s7  }
0x10: {  	[smem:$0x3FA4] =	sst s8  }
0x11: {  	[smem:$0x3FA5] =	sst s9;
	s0 =	simm.s32 @!p0 $0x0  }
0x12: {  	s1 =	sld [smem:$0x3F8B];
	s0 =	simm.s32 @p0 $0x1  }
0x13: {  	[smem:$0x3FA6] =	sst s0;
	s0 =	simm.s32 @!p1 $0x0  }
0x14: {  	s2 =	sld [smem:$0x3F8A];
	s0 =	simm.s32 @p1 $0x1  }
0x15: {  	[smem:$0x3FA7] =	sst s0;
	s0 =	simm.s32 @!p2 $0x0  }
0x16: {  	s3 =	sld [smem:$0x3FDB];
	s0 =	simm.s32 @p2 $0x1  }
0x17: {  	s4 =	simm.s32 $0x1BF5;
	[smem:$0x3FA9] =	sst s0  }
0x18: {  	s0 =	sld [smem:$0x3F8C];
	_ =	swait.ge [sflag:s4], $0x0  }
0x19: {  	s7 =	sld [smem:$0x3F8D]  }
0x1a: {  	s8 =	sadd.s32 $0xFFFFE003, lr  }
0x1b: {  	s9 =	sadd.s32 $0xFFFFFEF7, lr;
	s5 =	simm.s32 $0xFFFFFFFF;
	p2 =	slt.u32 s8, $0xFFFFF086  }
0x1c: {  	p1 =	slt.u32 s9, $0xF7A;
	s5 =	simm.s32 @!p2 $0x0  }
0x1d: {  	s5 =	simm.s32 @p1 $0x1;
	p0 =	seq.s32 s7, s2  }
0x1e: {  	s7 =	smul.u32 @!p0 $0xF7A, s2;
	p2 =	seq.s32 @!p0 s5, $0x0  }
0x1f: {  	s9 =	smul.u32 $0xF7A, s1;
	s8 =	simm.s32 @!p0 $0x1BF5;
	p2 =	por !p2, p0  }
0x20: {  	[sflag:s8] =	ssyncset.s32 @!p0 $0xFFFFF086;
	s6 =	sadd.s32 @!p0 s3, s7;
	s7 =	simm.s32 @!p0 $0x108  }
0x21: {  	s3 =	sadd.s32 s3, s9;
	s6 =	sadd.s32 @!p0 $0x88, s6;
	s7 =	simm.s32 @p2 $0x1082  }
0x22: {  	[simem:s7], [sflag:s8] =	dma.local @!p0 [hbm:s6], $0xF7A  }
0x23: {  	s9 =	sor.u32 $0xD0000000, s2;
	s6 =	simm.s32 $0x108;
	_ =	swait.ge @!p0 [sflag:s8], $0x0  }
0x24: {  	s3 =	sadd.s32 $0x88, s3;
	s6 =	simm.s32 @!p1 $0x1082;
	[sflag:s4] =	ssyncset.s32 $0xFFFFF086  }
0x25: {  	[simem:s6], [sflag:s4] =	dma.local [hbm:s3], $0xF7A  }
0x26: {  	[smem:$0x3F8D] =	sst s1;
	(tag) =	ssettag s2;
	_ =	strace s9  }
0x27: {  	s1 =	sld [smem:$0x3F9D]  }
0x28: {  	s2 =	sld [smem:$0x3F9E]  }
0x29: {  	s4 =	sld [smem:$0x3FA0]  }
0x2a: {  	p0 =	seq.s32 s5, $0x0;
	s5 =	sld [smem:$0x3FA1]  }
0x2b: {  	s6 =	sld [smem:$0x3FA2]  }
0x2c: {  	s7 =	sld [smem:$0x3FA3]  }
0x2d: {  	s3 =	simm.s32 $0x108;
	s8 =	sld [smem:$0x3FA4]  }
0x2e: {  	s3 =	simm.s32 @!p0 $0x1082;
	s9 =	sld [smem:$0x3FA5]  }
0x2f: {  	lr =	sadd.s32 s0, s3;
	s0 =	sld [smem:$0x3F9C]  }
0x30: {  	s3 =	sld [smem:$0x3F9F]  }
0x31: {  	[smem:$0x3FA8] =	sst s10  }
0x32: {  	s10 =	sld [smem:$0x3FA6];
	_ =	sdelay $0x3  }
0x33: {  	p0 =	seq.s32 s10, $0x1;
	s10 =	sld [smem:$0x3FA8];
	_ =	sdelay $0x3  }
0x34: {  	[smem:$0x3FA8] =	sst s10  }
0x35: {  	s10 =	sld [smem:$0x3FA7];
	_ =	sdelay $0x3  }
0x36: {  	p1 =	seq.s32 s10, $0x1;
	s10 =	sld [smem:$0x3FA8];
	_ =	sdelay $0x3  }
0x37: {  	[smem:$0x3FA8] =	sst s10  }
0x38: {  	s10 =	sld [smem:$0x3FA9]  }
0x39: {  	_ = 	snop;
	(pc) =	sbr.ind lr, $3  }
0x3a: {  	_ = 	snop  }
0x3b: {  	_ = 	snop  }
0x3c: {  	p2 =	seq.s32 s10, $0x1;
	s10 =	sld [smem:$0x3FA8]  }
0x3d: {  	_ =	shalt  }
0x3e: {  	_ =	shalt  }
0x3f: {  	_ =	shalt  }
0x40: {  	_ =	shalt  }
0x41: {  	_ =	shalt  }
0x42: {  	_ =	shalt  }
0x43: {  	_ =	shalt  }
0x44: {  	_ =	shalt  }
0x45: {  	_ =	shalt  }
0x46: {  	_ =	shalt  }
0x47: {  	_ =	shalt  }
0x48: {  	_ =	shalt  }
0x49: {  	_ =	shalt  }
0x4a: {  	_ =	shalt  }
0x4b: {  	_ =	shalt  }
0x4c: {  	_ =	shalt  }
0x4d: {  	_ =	shalt  }
0x4e: {  	_ =	shalt  }
0x4f: {  	_ =	shalt  }
0x50: {  	_ =	shalt  }
0x51: {  	_ =	shalt  }
0x52: {  	_ =	shalt  }
0x53: {  	_ =	shalt  }
0x54: {  	_ =	shalt  }
0x55: {  	_ =	shalt  }
0x56: {  	_ =	shalt  }
0x57: {  	_ =	shalt  }
0x58: {  	_ =	shalt  }
0x59: {  	_ =	shalt  }
0x5a: {  	_ =	shalt  }
0x5b: {  	_ =	shalt  }
0x5c: {  	_ =	shalt  }
0x5d: {  	_ =	shalt  }
0x5e: {  	_ =	shalt  }
0x5f: {  	_ =	shalt  }
0x60: {  	_ =	shalt  }
0x61: {  	_ =	shalt  }
0x62: {  	_ =	shalt  }
0x63: {  	_ =	shalt  }
0x64: {  	_ =	shalt  }
0x65: {  	_ =	shalt  }
0x66: {  	_ =	shalt  }
0x67: {  	_ =	shalt  }
0x68: {  	_ =	shalt  }
0x69: {  	_ =	shalt  }
0x6a: {  	_ =	shalt  }
0x6b: {  	_ =	shalt  }
0x6c: {  	_ =	shalt  }
0x6d: {  	_ =	shalt  }
0x6e: {  	_ =	shalt  }
0x6f: {  	_ =	shalt  }
0x70: {  	_ =	shalt  }
0x71: {  	_ =	shalt  }
0x72: {  	_ =	shalt  }
0x73: {  	_ =	shalt  }
0x74: {  	_ =	shalt  }
0x75: {  	_ =	shalt  }
0x76: {  	_ =	shalt  }
0x77: {  	_ =	shalt  }
0x78: {  	_ =	shalt  }
0x79: {  	_ =	shalt  }
0x7a: {  	_ =	shalt  }
0x7b: {  	_ =	shalt  }
0x7c: {  	_ =	shalt  }
0x7d: {  	_ =	shalt  }
0x7e: {  	_ =	shalt  }
0x7f: {  	_ =	shalt  }
0x80: {  	_ =	shalt  }
0x81: {  	_ =	shalt  }
0x82: {  	_ =	shalt  }
0x83: {  	_ =	shalt  }
0x84: {  	_ =	shalt  }
0x85: {  	_ =	shalt  }
0x86: {  	_ =	shalt  }
0x87: {  	_ =	shalt  }
.Lfunc_end0:
.L_simem_size_0:
called_computation_lowered:
.L_overlay_start_0:
0x88: {  	s0 =	sld [smem:$0x3FD9]  }
0x89: {  	s1 =	sld [smem:$0x3FFE];
	_ =	sdelay $0x3  }
0x8a: {  	s0 =	sadd.s32 s1, s0  }
0x8b: {  	[smem:$0x3FB4] =	sst s0  }
0x8c: {  	_ = 	snop  }
0x8d: {  	(tm) =	ssettm $0x1  }
0x8e: {  	s15 =	sld [smem:$0x3FFB];
	_ =	sdelay $0x3  }
0x8f: {  	_ =	strace s15  }
0x90: {  	s0 =	sld [smem:$0x3FFC];
	_ =	sdelay $0x3  }
0x91: {  	_ =	strace s0  }
0x92: {  	s0 =	sld [smem:$0x3FFD];
	_ =	sdelay $0x3  }
0x93: {  	_ =	strace s0  }
0x94: {  	_ =	strace $0x8FFFFFFF  }
0x95: {  	s16 =	sld [smem:$0x3FDB];
	_ =	sdelay $0x1  }
0x96: {  	s17 =	simm.s32 $_scs_section_size  }
0x97: {  	s2 =	simm.s32 $_size__tile_overlayer_lowered;
	s3 =	simm.s32 $_tile_overlayer_lowered  }
0x98: {  	s20 =	simm.s32 $0x1BFF;
	s19 =	sshll.u32 s3, $0x1;
	s0 =	sadd.s32 s17, s16  }
0x99: {  	s4 =	simm.s32 $0x0;
	s18 =	sshll.u32 s2, $0x1;
	s2 =	sadd.s32 s19, s0  }
0x9a: {  	[timem:s4], [sflag:s20] =	dma.local [hbm:s2], s18  }
0x9b: {  	_ =	swait.ge [sflag:s20], s18  }
0x9c: {  	s1 =	ssub.s32 $0x0, s18;
	[sflag:s20] =	ssyncset.done $0x0  }
0x9d: {  	[sflag:s20] =	ssyncadd.s32 s1;
	_ =	sdelay $0x1  }
0x9e: {  	s21 =	simm.s32 $0x1B8B  }
0x9f: {  	_ =	swait.ge [sflag:s21], $0x1  }
0xa0: {  	[sflag:s21] =	ssyncset.done $0x0  }
0xa1: {  	s23 =	simm.s32 $0x1B8E;
	s22 =	sld [smem:$0x3FFE];
	[sflag:s21] =	ssyncadd.s32 $0xFFFFFFFF  }
0xa2: {  	s24 =	simm.s32 $execute0_lowered;
	[smem:$0x3FD2] =	sst s23  }
0xa3: {  	s2 =	sshll.u32 s24, $0x1;
	_ =	strace $0x80000046;
	[dreg:$0x1] =	wrdreg $0xFFFFFFFF  }
0xa4: {  	s25 =	simm.s32 $_size_execute0_lowered;
	s0 =	sadd.s32 s0, s2;
	[dreg:$0x0] =	wrdreg $0x0  }
0xa5: {  	s2 =	sshll.u32 s25, $0x1;
	[dreg:$0x2] =	wrdreg s0  }
0xa6: {  	[dreg:$0x3] =	wrdreg s2  }
0xa7: {  	[dreg:$0x4] =	wrdreg $0xC0  }
0xa8: {  	_ =	task [dreg:s4], $0x5FFFF  }
0xa9: {  	[dreg:$0x1] =	wrdreg $0xFFFFFFFF  }
0xaa: {  	[dreg:$0x0] =	wrdreg $0x60  }
0xab: {  	[dreg:$0x2] =	wrdreg s22  }
0xac: {  	[dreg:$0x3] =	wrdreg $0x140000  }
0xad: {  	[dreg:$0x4] =	wrdreg $0x168000  }
0xae: {  	[dreg:$0x5] =	wrdreg $0x9  }
0xaf: {  	_ =	task.clear_ibuf [dreg:s4], $0x6FFFF;
	_ =	strace $0x90000046  }
0xb0: {  	s26 =	simm.s32 $0x9;
	_ =	strace $0x80000048  }
0xb1: {  	_ =	swait.ge [sflag:s26], $0x1  }
0xb2: {  	[sflag:s26] =	ssyncadd.s32 $0xFFFFFFFF  }
0xb3: {  	_ =	strace $0x90000048  }
0xb4: {  	_ =	sfence  }
0xb5: {  	s28 =	sld [smem:$0x0];
	_ =	sdelay $0x1  }
0xb6: {  	s29 =	srdreg.scid  }
0xb7: {  	s30 =	sshll.u32 s29, $0xD;
	s31 =	sshrl.u32 s29, $0x2  }
0xb8: {  	s1 =	sand.u32 $0x1, s29;
	s2 =	sand.u32 $0x4000, s30;
	s0 =	sadd.s32 s31, s28  }
0xb9: {  	s1 =	sor.u32 s2, s1;
	s0 =	sshll.u32 s0, $0x11  }
0xba: {  	s0 =	sor.u32 s0, s1  }
0xbb: {  	s0 =	sadd.s32 $0x8F2B, s0  }
0xbc: {  	[sflag:s0] =	ssyncadd.remote.s32 $0x1  }
0xbd: {  	_ =	sfence.sel $0xFFFF  }
0xbe: {  	[dreg:$0x0] =	wrdreg $0xFFFFFFFF;
	(pc) =	sbr.abs _section_cstart, $3  }
0xbf: {  	[dreg:$0x1] =	wrdreg $0xFFFFFFFF  }
0xc0: {  	_ =	task.clear_ibuf [dreg:s4], $0x2FFFF;
	_ =	strace $0x9FFFFFFF  }
0xc1: {  	(tm) =	ssettm $0x7FFFFFFF  }
tec
execute0_lowered:
.L_overlay_start_1:
0x0: {  	(tag) =	ssettag $0x1  }
0x1: {  	s4 =	rddreg [dreg:$0x0];
	s0 =	stileid.u32  }
0x2: {  	s5 =	rddreg [dreg:$0x1];
	s2 =	smul.u32 $0x4E20, s0  }
0x3: {  	s3 =	rddreg [dreg:$0x2]  }
0x4: {  	s1 =	rddreg [dreg:$0x3];
	s6 =	simm.s32 $0x0;
	s2 =	sshrl.u32 s2, $0x3  }
0x5: {  	[smem:$0x7FF] =	sst s6;
	s2 =	sadd.s32 s2, s4  }
0x6: {  	s31 =	simm.s32 $0x1;
	_ =	strace $0x80000047;
	s7 =	sadd.s32 $0x2E00, s2  }
0x7: {  	[tilespmem:s6], [sflag:$0x1] =	stream.linear.gather [hbm4b:s7+s6], $0x4E20, $0x38;
	[tilespmem:$0x16A80] =	vst v63  }
0x8: {  	_ =	swait.ge [sflag:s31], $0x4E20  }
0x9: {  	[sflag:s31] =	ssyncset.done $0x0  }
0xa: {  	s8 =	simm.s32 $0x4E80;
	s2 =	sadd.s32 $0xCA40, s2;
	[sflag:s31] =	ssyncadd.s32 $0xFFFFB1E0  }
0xb: {  	[tilespmem:s8], [sflag:$0x1] =	stream.linear.gather [hbm4b:s2+s6], $0x4E20, $0x38;
	[tilespmem:$0x16A80] =	vst v63  }
0xc: {  	_ =	swait.ge [sflag:s31], $0x4E20  }
0xd: {  	s7 =	simm.s32 $0x200;
	s2 =	sadd.s32 $0x16800, s4;
	[sflag:s31] =	ssyncset.done $0x0  }
0xe: {  	v0 =	vimm.f32 $0.0e+00;
	s6 =	sadd.s32 $0x16E00, s4;
	s4 =	simm.s32 $0x0;
	[sflag:s31] =	ssyncadd.s32 $0xFFFFB1E0  }
.LBB2_1:
0xf: {  	p0 =	sne.s32 s7, $0x9E00;
	[tilespmem:s4+$0x9D70] =	vst v0  }
0x10: {  	[tilespmem:s4+$0x9D00] =	vst v0  }
0x11: {  	[tilespmem:s4+$0x9D10] =	vst v0  }
.Ltmp0:
0x12: {  	[tilespmem:s4+$0x9D20] =	vst v0;
	(pc) =	sbr.rel @p0 .LBB2_1-.Ltmp0, $4  }
0x13: {  	[tilespmem:s4+$0x9D30] =	vst v0  }
0x14: {  	[tilespmem:s4+$0x9D40] =	vst v0  }
0x15: {  	[tilespmem:s4+$0x9D50] =	vst v0  }
0x16: {  	[tilespmem:s4+$0x9D60] =	vst v0;
	s4 =	sshra.s32 s7, $0x2;
	s7 =	sadd.s32 $0x200, s7  }
0x17: {  	[tilespmem:s4+$0x9D70] =	vst v0  }
0x18: {  	[tilespmem:s4+$0x9D00] =	vst v0  }
0x19: {  	[tilespmem:s4+$0x9D10] =	vst v0  }
0x1a: {  	[tilespmem:s4+$0x9D20] =	vst v0  }
0x1b: {  	[tilespmem:s4+$0x9D30] =	vst v0  }
0x1c: {  	[tilespmem:s4+$0x9D40] =	vst v0  }
0x1d: {  	[tilespmem:s4+$0x9D50] =	vst v0  }
0x1e: {  	[tilespmem:s4+$0x9D60] =	vst v0;
	s4 =	simm.s32 $0x0;
	v0 =	vimm.f32 $1.000000000e+00;
	s7 =	simm.s32 $0x9D00  }
.LBB2_3:
0x1f: {  	s8 =	sshra.s32 s4, $0x2  }
0x20: {  	v1 =	vld [tilespmem:s8+$0x4E80];
	_ =	sdelay $0x7  }
0x21: {  	[tilespmem:v1+s7+$0x0] =	vst.idx.add.f32.msk $0xffff, v0  }
0x22: {  	v1 =	vld [tilespmem:s8+$0x4E90];
	_ =	sdelay $0x7  }
0x23: {  	[tilespmem:v1+s7+$0x0] =	vst.idx.add.f32.msk $0xffff, v0  }
0x24: {  	v1 =	vld [tilespmem:s8+$0x4EA0];
	_ =	sdelay $0x7  }
0x25: {  	[tilespmem:v1+s7+$0x0] =	vst.idx.add.f32.msk $0xffff, v0  }
0x26: {  	v1 =	vld [tilespmem:s8+$0x4EB0];
	_ =	sdelay $0x7  }
0x27: {  	[tilespmem:v1+s7+$0x0] =	vst.idx.add.f32.msk $0xffff, v0  }
0x28: {  	v1 =	vld [tilespmem:s8+$0x4EC0];
	_ =	sdelay $0x2  }
0x29: {  	p0 =	sne.s32 s4, $0x13740  }
.Ltmp1:
0x2a: {  	_ = 	snop;
	(pc) =	sbr.rel @p0 .LBB2_3-.Ltmp1, $2  }
0x2b: {  	_ =	sdelay $0x2  }
0x2c: {  	s4 =	sadd.s32 $0x140, s4;
	[tilespmem:v1+s7+$0x0] =	vst.idx.add.f32.msk $0xffff, v0  }
0x2d: {  	s8 =	sshrl.u32 s0, $0x3  }
0x2e: {  	s4 =	smul.u32 $0x50000, s8;
	_ =	sdelay $0x1  }
0x2f: {  	s7 =	sshll.u32 s0, $0x7;
	s20 =	simm.s32 $0x80;
	s4 =	sshrl.u32 s4, $0x2  }
0x30: {  	s10 =	simm.s32 $0x400;
	s9 =	sand.u32 $0x380, s7;
	s4 =	sadd.s32 s4, s5  }
0x31: {  	s11 =	simm.s32 $0x9D00;
	s21 =	simm.s32 $0x1;
	s4 =	sadd.s32 s9, s4  }
0x32: {  	[spmem:s4] =	stream.strided.scatter [tilespmem:s11], [sflag:$0x1], $0x2800, s10, s20, $0x38;
	[tilespmem:$0x16A80] =	vst v63  }
0x33: {  	s22 =	smul.u32 $0x5000, s0;
	_ =	swait.ge [sflag:s21], $0x2800  }
0x34: {  	s23 =	simm.s32 $0x1400;
	s24 =	simm.s32 $0x14000;
	[sflag:s21] =	ssyncset.done $0x0  }
0x35: {  	s12 =	simm.s32 $0x11500;
	s10 =	sshrl.u32 s22, $0x2;
	[sflag:s21] =	ssyncadd.s32 $0xFFFFD800  }
0x36: {  	s25 =	simm.s32 $0x0;
	s5 =	sadd.s32 s10, s5;
	[bflag:$0x0] =	sbarrier.arrive $0xFFFF  }
0x37: {  	[tilespmem:s12], [sflag:$0x1] =	stream.strided.gather [spmem:s5], $0x2800, s24, s23, $0x38;
	[tilespmem:$0x16A80] =	vst v63  }
0x38: {  	s26 =	sand.u32 $0x70, s25;
	s10 =	sand.u32 $0x1C00, s25;
	_ =	swait.ge [sflag:s21], $0x2800  }
0x39: {  	s10 =	sor.u32 s26, s10;
	[sflag:s21] =	ssyncset.done $0x0  }
0x3a: {  	s28 =	sadd.s32 $0x11500, s10;
	[sflag:s21] =	ssyncadd.s32 $0xFFFFD800  }
0x3b: {  	v0 =	vld [tilespmem:s28+$0x80]  }
0x3c: {  	v1 =	vld [tilespmem:s10+$0x11500];
	_ =	sdelay $0x1  }
0x3d: {  	v2 =	vld [tilespmem:s28+$0x100];
	_ =	sdelay $0x1  }
0x3e: {  	v3 =	vld [tilespmem:s28+$0x180]  }
0x3f: {  	v0 =	vadd.f32 v0, v1  }
0x40: {  	v1 =	vld [tilespmem:s28+$0x200]  }
0x41: {  	v0 =	vadd.f32 v2, v0  }
0x42: {  	v2 =	vld [tilespmem:s28+$0x280]  }
0x43: {  	v0 =	vadd.f32 v3, v0  }
0x44: {  	v3 =	vld [tilespmem:s28+$0x300]  }
0x45: {  	v0 =	vadd.f32 v1, v0  }
0x46: {  	v1 =	vld [tilespmem:s28+$0x380]  }
0x47: {  	v0 =	vadd.f32 v2, v0  }
0x48: {  	v2 =	vld [tilespmem:s10+$0x12900]  }
0x49: {  	v0 =	vadd.f32 v3, v0  }
0x4a: {  	v3 =	vld [tilespmem:s10+$0x12980]  }
0x4b: {  	v0 =	vadd.f32 v1, v0  }
0x4c: {  	v1 =	vld [tilespmem:s10+$0x12A00]  }
0x4d: {  	v0 =	vadd.f32 v2, v0  }
0x4e: {  	v2 =	vld [tilespmem:s10+$0x12A80]  }
0x4f: {  	v0 =	vadd.f32 v3, v0  }
0x50: {  	v3 =	vld [tilespmem:s10+$0x12B00]  }
0x51: {  	v0 =	vadd.f32 v1, v0  }
0x52: {  	v1 =	vld [tilespmem:s10+$0x12B80]  }
0x53: {  	v0 =	vadd.f32 v2, v0  }
0x54: {  	v2 =	vld [tilespmem:s10+$0x12C00]  }
0x55: {  	v0 =	vadd.f32 v3, v0  }
0x56: {  	v3 =	vld [tilespmem:s10+$0x12C80]  }
0x57: {  	v0 =	vadd.f32 v1, v0;
	_ =	sdelay $0x1  }
0x58: {  	v0 =	vadd.f32 v2, v0;
	_ =	sdelay $0x1  }
0x59: {  	v0 =	vadd.f32 v3, v0;
	_ =	sdelay $0x1  }
0x5a: {  	v0 =	vadd.f32 $1.000000000e+00, v0;
	_ =	sdelay $0x1  }
0x5b: {  	v0 =	vmax.f32 v0, $1.000000000e+00  }
0x5c: {  	v1 =	vshrl.u32 v0, $0x1;
	v0 =	vmul.f32 $5.000000000e-01, v0  }
0x5d: {  	v1 =	vsub.s32 $0x5F3759DF, v1  }
0x5e: {  	v2 =	vmul.f32 v1, v0;
	_ =	sdelay $0x1  }
0x5f: {  	v2 =	vmul.f32 v1, v2;
	_ =	sdelay $0x1  }
0x60: {  	v2 =	vsub.f32 $1.500000000e+00, v2;
	_ =	sdelay $0x1  }
0x61: {  	v1 =	vmul.f32 v1, v2;
	_ =	sdelay $0x1  }
0x62: {  	v2 =	vmul.f32 v1, v0;
	_ =	sdelay $0x1  }
0x63: {  	v2 =	vmul.f32 v2, v1;
	_ =	sdelay $0x1  }
0x64: {  	v2 =	vsub.f32 $1.500000000e+00, v2;
	_ =	sdelay $0x1  }
0x65: {  	v1 =	vmul.f32 v2, v1;
	_ =	sdelay $0x1  }
0x66: {  	v2 =	vmul.f32 v1, v0;
	_ =	sdelay $0x1  }
0x67: {  	v2 =	vmul.f32 v2, v1;
	_ =	sdelay $0x1  }
0x68: {  	v2 =	vsub.f32 $1.500000000e+00, v2;
	_ =	sdelay $0x1  }
0x69: {  	v1 =	vmul.f32 v2, v1;
	_ =	sdelay $0x1  }
0x6a: {  	v0 =	vmul.f32 v1, v0;
	_ =	sdelay $0x1  }
0x6b: {  	v0 =	vmul.f32 v0, v1;
	_ =	sdelay $0x1  }
0x6c: {  	v0 =	vsub.f32 $1.500000000e+00, v0  }
0x6d: {  	s29 =	simm.s32 $0x10;
	s7 =	simm.s32 $0x80  }
0x6e: {  	s30 =	sand.u32 $0x70, s29;
	s31 =	sand.u32 $0x1C00, s7;
	v0 =	vmul.f32 v0, v1  }
0x6f: {  	s11 =	simm.s32 $0x20;
	s12 =	sor.u32 s30, s31;
	s10 =	simm.s32 $0x13D00  }
.LBB2_5:
0x70: {  	p0 =	sne.s32 s11, $0x270;
	s13 =	sadd.s32 $0x11500, s12;
	[tilespmem:s10+$0x0] =	vst v0  }
0x71: {  	v0 =	vld [tilespmem:s13+$0x80]  }
0x72: {  	v1 =	vld [tilespmem:s12+$0x11500];
	_ =	sdelay $0x1  }
0x73: {  	v2 =	vld [tilespmem:s13+$0x100];
	_ =	sdelay $0x1  }
0x74: {  	v3 =	vld [tilespmem:s13+$0x180]  }
0x75: {  	v0 =	vadd.f32 v0, v1  }
0x76: {  	v1 =	vld [tilespmem:s13+$0x200]  }
0x77: {  	v0 =	vadd.f32 v2, v0  }
0x78: {  	v2 =	vld [tilespmem:s13+$0x280]  }
0x79: {  	v0 =	vadd.f32 v3, v0  }
0x7a: {  	v3 =	vld [tilespmem:s13+$0x300]  }
0x7b: {  	v0 =	vadd.f32 v1, v0  }
0x7c: {  	v1 =	vld [tilespmem:s13+$0x380]  }
0x7d: {  	v0 =	vadd.f32 v2, v0  }
0x7e: {  	v2 =	vld [tilespmem:s12+$0x12900]  }
0x7f: {  	v0 =	vadd.f32 v3, v0  }
0x80: {  	v3 =	vld [tilespmem:s12+$0x12980]  }
0x81: {  	v0 =	vadd.f32 v1, v0  }
0x82: {  	v1 =	vld [tilespmem:s12+$0x12A00]  }
0x83: {  	v0 =	vadd.f32 v2, v0  }
0x84: {  	v2 =	vld [tilespmem:s12+$0x12A80]  }
0x85: {  	v0 =	vadd.f32 v3, v0  }
0x86: {  	v3 =	vld [tilespmem:s12+$0x12B00]  }
0x87: {  	v0 =	vadd.f32 v1, v0  }
0x88: {  	v1 =	vld [tilespmem:s12+$0x12B80]  }
0x89: {  	v0 =	vadd.f32 v2, v0  }
0x8a: {  	v2 =	vld [tilespmem:s12+$0x12C00]  }
0x8b: {  	v0 =	vadd.f32 v3, v0  }
0x8c: {  	v3 =	vld [tilespmem:s12+$0x12C80]  }
0x8d: {  	v0 =	vadd.f32 v1, v0;
	_ =	sdelay $0x1  }
0x8e: {  	v0 =	vadd.f32 v2, v0;
	_ =	sdelay $0x1  }
0x8f: {  	v0 =	vadd.f32 v3, v0;
	_ =	sdelay $0x1  }
0x90: {  	v0 =	vadd.f32 $1.000000000e+00, v0;
	_ =	sdelay $0x1  }
0x91: {  	v0 =	vmax.f32 v0, $1.000000000e+00  }
0x92: {  	v1 =	vshrl.u32 v0, $0x1;
	v0 =	vmul.f32 $5.000000000e-01, v0  }
0x93: {  	v1 =	vsub.s32 $0x5F3759DF, v1  }
0x94: {  	v2 =	vmul.f32 v1, v0;
	_ =	sdelay $0x1  }
0x95: {  	v2 =	vmul.f32 v1, v2;
	_ =	sdelay $0x1  }
0x96: {  	v2 =	vsub.f32 $1.500000000e+00, v2;
	_ =	sdelay $0x1  }
0x97: {  	v1 =	vmul.f32 v1, v2;
	_ =	sdelay $0x1  }
0x98: {  	v2 =	vmul.f32 v1, v0;
	_ =	sdelay $0x1  }
0x99: {  	v2 =	vmul.f32 v2, v1;
	_ =	sdelay $0x1  }
0x9a: {  	v2 =	vsub.f32 $1.500000000e+00, v2;
	_ =	sdelay $0x1  }
0x9b: {  	v1 =	vmul.f32 v2, v1;
	_ =	sdelay $0x1  }
0x9c: {  	v2 =	vmul.f32 v1, v0;
	_ =	sdelay $0x1  }
0x9d: {  	v2 =	vmul.f32 v2, v1;
	_ =	sdelay $0x1  }
0x9e: {  	v2 =	vsub.f32 $1.500000000e+00, v2;
	_ =	sdelay $0x1  }
0x9f: {  	v1 =	vmul.f32 v2, v1;
	_ =	sdelay $0x1  }
0xa0: {  	v0 =	vmul.f32 v1, v0;
	_ =	sdelay $0x1  }
0xa1: {  	v0 =	vmul.f32 v0, v1  }
.Ltmp2:
0xa2: {  	(pc) =	sbr.rel @p0 .LBB2_5-.Ltmp2, $4  }
0xa3: {  	v0 =	vsub.f32 $1.500000000e+00, v0  }
0xa4: {  	s7 =	sadd.s32 $0x80, s7  }
0xa5: {  	s13 =	sand.u32 $0x1C00, s7;
	s12 =	sand.u32 $0x70, s11;
	v0 =	vmul.f32 v0, v1  }
0xa6: {  	s10 =	sadd.s32 $0x10, s10;
	s11 =	sadd.s32 $0x10, s11;
	s12 =	sor.u32 s12, s13  }
0xa7: {  	s7 =	sadd.s32 $0x11500, s12;
	[tilespmem:s10+$0x0] =	vst v0  }
0xa8: {  	v0 =	vld [tilespmem:s7+$0x80]  }
0xa9: {  	v1 =	vld [tilespmem:s12+$0x11500];
	_ =	sdelay $0x1  }
0xaa: {  	v2 =	vld [tilespmem:s7+$0x100];
	_ =	sdelay $0x1  }
0xab: {  	v3 =	vld [tilespmem:s7+$0x180]  }
0xac: {  	v0 =	vadd.f32 v0, v1  }
0xad: {  	v1 =	vld [tilespmem:s7+$0x200]  }
0xae: {  	v0 =	vadd.f32 v2, v0  }
0xaf: {  	v2 =	vld [tilespmem:s7+$0x280]  }
0xb0: {  	v0 =	vadd.f32 v3, v0  }
0xb1: {  	v3 =	vld [tilespmem:s7+$0x300]  }
0xb2: {  	v0 =	vadd.f32 v1, v0  }
0xb3: {  	v1 =	vld [tilespmem:s7+$0x380]  }
0xb4: {  	v0 =	vadd.f32 v2, v0  }
0xb5: {  	v2 =	vld [tilespmem:s12+$0x12900]  }
0xb6: {  	v0 =	vadd.f32 v3, v0  }
0xb7: {  	v3 =	vld [tilespmem:s12+$0x12980]  }
0xb8: {  	v0 =	vadd.f32 v1, v0  }
0xb9: {  	v1 =	vld [tilespmem:s12+$0x12A00]  }
0xba: {  	v0 =	vadd.f32 v2, v0  }
0xbb: {  	v2 =	vld [tilespmem:s12+$0x12A80]  }
0xbc: {  	v0 =	vadd.f32 v3, v0  }
0xbd: {  	v3 =	vld [tilespmem:s12+$0x12B00]  }
0xbe: {  	v0 =	vadd.f32 v1, v0  }
0xbf: {  	v1 =	vld [tilespmem:s12+$0x12B80]  }
0xc0: {  	v0 =	vadd.f32 v2, v0  }
0xc1: {  	v2 =	vld [tilespmem:s12+$0x12C00]  }
0xc2: {  	v0 =	vadd.f32 v3, v0  }
0xc3: {  	v3 =	vld [tilespmem:s12+$0x12C80]  }
0xc4: {  	v0 =	vadd.f32 v1, v0;
	_ =	sdelay $0x1  }
0xc5: {  	v0 =	vadd.f32 v2, v0;
	_ =	sdelay $0x1  }
0xc6: {  	v0 =	vadd.f32 v3, v0;
	_ =	sdelay $0x1  }
0xc7: {  	v0 =	vadd.f32 $1.000000000e+00, v0;
	_ =	sdelay $0x1  }
0xc8: {  	v0 =	vmax.f32 v0, $1.000000000e+00  }
0xc9: {  	v1 =	vshrl.u32 v0, $0x1;
	v0 =	vmul.f32 $5.000000000e-01, v0  }
0xca: {  	v1 =	vsub.s32 $0x5F3759DF, v1  }
0xcb: {  	v2 =	vmul.f32 v1, v0;
	_ =	sdelay $0x1  }
0xcc: {  	v2 =	vmul.f32 v1, v2;
	_ =	sdelay $0x1  }
0xcd: {  	v2 =	vsub.f32 $1.500000000e+00, v2;
	_ =	sdelay $0x1  }
0xce: {  	v1 =	vmul.f32 v1, v2;
	_ =	sdelay $0x1  }
0xcf: {  	v2 =	vmul.f32 v1, v0;
	_ =	sdelay $0x1  }
0xd0: {  	v2 =	vmul.f32 v2, v1;
	_ =	sdelay $0x1  }
0xd1: {  	v2 =	vsub.f32 $1.500000000e+00, v2;
	_ =	sdelay $0x1  }
0xd2: {  	v1 =	vmul.f32 v2, v1;
	_ =	sdelay $0x1  }
0xd3: {  	v2 =	vmul.f32 v1, v0;
	_ =	sdelay $0x1  }
0xd4: {  	v2 =	vmul.f32 v2, v1;
	_ =	sdelay $0x1  }
0xd5: {  	v2 =	vsub.f32 $1.500000000e+00, v2;
	_ =	sdelay $0x1  }
0xd6: {  	v1 =	vmul.f32 v2, v1;
	_ =	sdelay $0x1  }
0xd7: {  	v0 =	vmul.f32 v1, v0;
	_ =	sdelay $0x1  }
0xd8: {  	v0 =	vmul.f32 v0, v1;
	_ =	sdelay $0x1  }
0xd9: {  	v0 =	vsub.f32 $1.500000000e+00, v0;
	_ =	sdelay $0x1  }
0xda: {  	s7 =	smul.u32 $0x280, s0;
	v0 =	vmul.f32 v0, v1  }
0xdb: {  	s29 =	sadd.s32 $0x10, s10  }
0xdc: {  	s11 =	simm.s32 $0x13D00;
	s30 =	simm.s32 $0x1;
	s10 =	sadd.s32 s7, s3;
	[tilespmem:s29+$0x0] =	vst v0  }
0xdd: {  	[spmem:s10] =	stream.linear.scatter [tilespmem:s11], [sflag:$0x1], $0x280, $0x38;
	[tilespmem:$0x16A80] =	vst v63  }
0xde: {  	_ =	swait.ge [sflag:s30], $0x280  }
0xdf: {  	[sflag:s30] =	ssyncset.done $0x0  }
0xe0: {  	[sflag:s30] =	ssyncadd.s32 $0xFFFFFD80  }
0xe1: {  	s31 =	simm.s32 $0xC500;
	[bflag:$0x0] =	sbarrier.arrive $0xFFFF  }
0xe2: {  	[tilespmem:s31], [sflag:$0x1] =	stream.linear.gather [spmem:s3], $0x2800, $0x38;
	[tilespmem:$0x16A80] =	vst v63  }
0xe3: {  	_ =	swait.ge [sflag:s30], $0x2800  }
0xe4: {  	[sflag:s30] =	ssyncset.done $0x0  }
0xe5: {  	s12 =	simm.s32 $0x200;
	v0 =	vimm.f32 $0.0e+00;
	s11 =	simm.s32 $0x0;
	[sflag:s30] =	ssyncadd.s32 $0xFFFFD800  }
.LBB2_7:
0xe6: {  	p0 =	sne.s32 s12, $0x9E00;
	[tilespmem:s11+$0x9D70] =	vst v0  }
0xe7: {  	[tilespmem:s11+$0x9D00] =	vst v0  }
0xe8: {  	[tilespmem:s11+$0x9D10] =	vst v0  }
.Ltmp3:
0xe9: {  	[tilespmem:s11+$0x9D20] =	vst v0;
	(pc) =	sbr.rel @p0 .LBB2_7-.Ltmp3, $4  }
0xea: {  	[tilespmem:s11+$0x9D30] =	vst v0  }
0xeb: {  	[tilespmem:s11+$0x9D40] =	vst v0  }
0xec: {  	[tilespmem:s11+$0x9D50] =	vst v0  }
0xed: {  	[tilespmem:s11+$0x9D60] =	vst v0;
	s11 =	sshra.s32 s12, $0x2;
	s12 =	sadd.s32 $0x200, s12  }
0xee: {  	[tilespmem:s11+$0x9D70] =	vst v0  }
0xef: {  	[tilespmem:s11+$0x9D00] =	vst v0  }
0xf0: {  	[tilespmem:s11+$0x9D10] =	vst v0  }
0xf1: {  	[tilespmem:s11+$0x9D20] =	vst v0  }
0xf2: {  	[tilespmem:s11+$0x9D30] =	vst v0  }
0xf3: {  	[tilespmem:s11+$0x9D40] =	vst v0  }
0xf4: {  	[tilespmem:s11+$0x9D50] =	vst v0  }
0xf5: {  	[tilespmem:s11+$0x9D60] =	vst v0;
	s11 =	simm.s32 $0x0;
	s12 =	simm.s32 $0xC500;
	s13 =	simm.s32 $0x9D00  }
.LBB2_9:
0xf6: {  	s14 =	sshra.s32 s11, $0x2  }
0xf7: {  	v0 =	vld [tilespmem:s14+$0x4E80];
	_ =	sdelay $0x4  }
0xf8: {  	v1 =	vld [tilespmem:s14+$0x0];
	_ =	sdelay $0x2  }
0xf9: {  	v0 =	vld.idx.msk [tilespmem:v0+s12+$0x0], $0xffff;
	_ =	sdelay $0x4  }
0xfa: {  	[tilespmem:v1+s13+$0x0] =	vst.idx.add.f32.msk $0xffff, v0  }
0xfb: {  	v0 =	vld [tilespmem:s14+$0x4E90];
	_ =	sdelay $0x4  }
0xfc: {  	v1 =	vld [tilespmem:s14+$0x10];
	_ =	sdelay $0x2  }
0xfd: {  	v0 =	vld.idx.msk [tilespmem:v0+s12+$0x0], $0xffff;
	_ =	sdelay $0x4  }
0xfe: {  	[tilespmem:v1+s13+$0x0] =	vst.idx.add.f32.msk $0xffff, v0  }
0xff: {  	v0 =	vld [tilespmem:s14+$0x4EA0];
	_ =	sdelay $0x4  }
0x100: {  	v1 =	vld [tilespmem:s14+$0x20];
	_ =	sdelay $0x2  }
0x101: {  	v0 =	vld.idx.msk [tilespmem:v0+s12+$0x0], $0xffff;
	_ =	sdelay $0x4  }
0x102: {  	[tilespmem:v1+s13+$0x0] =	vst.idx.add.f32.msk $0xffff, v0  }
0x103: {  	v0 =	vld [tilespmem:s14+$0x4EB0];
	_ =	sdelay $0x4  }
0x104: {  	v1 =	vld [tilespmem:s14+$0x30];
	_ =	sdelay $0x2  }
0x105: {  	v0 =	vld.idx.msk [tilespmem:v0+s12+$0x0], $0xffff;
	_ =	sdelay $0x4  }
0x106: {  	[tilespmem:v1+s13+$0x0] =	vst.idx.add.f32.msk $0xffff, v0  }
0x107: {  	v0 =	vld [tilespmem:s14+$0x4EC0];
	_ =	sdelay $0x4  }
0x108: {  	v1 =	vld [tilespmem:s14+$0x40];
	_ =	sdelay $0x2  }
0x109: {  	p0 =	sne.s32 s11, $0x13740;
	v0 =	vld.idx.msk [tilespmem:v0+s12+$0x0], $0xffff  }
.Ltmp4:
0x10a: {  	_ = 	snop;
	(pc) =	sbr.rel @p0 .LBB2_9-.Ltmp4, $2  }
0x10b: {  	_ =	sdelay $0x2  }
0x10c: {  	s11 =	sadd.s32 $0x140, s11;
	[tilespmem:v1+s13+$0x0] =	vst.idx.add.f32.msk $0xffff, v0  }
0x10d: {  	s11 =	simm.s32 $0x80  }
0x10e: {  	s12 =	simm.s32 $0x400;
	s13 =	simm.s32 $0x9D00;
	s23 =	simm.s32 $0x1  }
0x10f: {  	[spmem:s4] =	stream.strided.scatter [tilespmem:s13], [sflag:$0x1], $0x2800, s12, s11, $0x38;
	[tilespmem:$0x16A80] =	vst v63  }
0x110: {  	_ =	swait.ge [sflag:s23], $0x2800  }
0x111: {  	[sflag:s23] =	ssyncset.done $0x0  }
0x112: {  	s24 =	simm.s32 $0x1400;
	[sflag:s23] =	ssyncadd.s32 $0xFFFFD800  }
0x113: {  	s25 =	simm.s32 $0x14000;
	s14 =	simm.s32 $0x11500;
	[bflag:$0x0] =	sbarrier.arrive $0xFFFF  }
0x114: {  	[tilespmem:s14], [sflag:$0x1] =	stream.strided.gather [spmem:s5], $0x2800, s25, s24, $0x38;
	[tilespmem:$0x16A80] =	vst v63  }
0x115: {  	s26 =	simm.s32 $0x0;
	_ =	swait.ge [sflag:s23], $0x2800  }
0x116: {  	s28 =	sand.u32 $0x70, s26;
	s12 =	sand.u32 $0x1C00, s26;
	[sflag:s23] =	ssyncset.done $0x0  }
0x117: {  	v0 =	vimm.f32 $0.0e+00;
	s29 =	sor.u32 s28, s12;
	[sflag:s23] =	ssyncadd.s32 $0xFFFFD800  }
0x118: {  	s12 =	sadd.s32 $0x11500, s29;
	[tilespmem:$0x13F80] =	vst v0  }
0x119: {  	v0 =	vld [tilespmem:s12+$0x80]  }
0x11a: {  	v1 =	vld [tilespmem:s29+$0x11500];
	_ =	sdelay $0x1  }
0x11b: {  	v2 =	vld [tilespmem:s12+$0x100];
	_ =	sdelay $0x1  }
0x11c: {  	v3 =	vld [tilespmem:s12+$0x180]  }
0x11d: {  	v0 =	vadd.f32 v0, v1  }
0x11e: {  	v50 =	vld [tilespmem:s12+$0x200]  }
0x11f: {  	v0 =	vadd.f32 v2, v0  }
0x120: {  	v51 =	vld [tilespmem:s12+$0x280]  }
0x121: {  	v0 =	vadd.f32 v3, v0  }
0x122: {  	v52 =	vld [tilespmem:s12+$0x300]  }
0x123: {  	v0 =	vadd.f32 v50, v0  }
0x124: {  	v53 =	vld [tilespmem:s12+$0x380]  }
0x125: {  	v0 =	vadd.f32 v51, v0  }
0x126: {  	v54 =	vld [tilespmem:s29+$0x12900]  }
0x127: {  	v0 =	vadd.f32 v52, v0  }
0x128: {  	v55 =	vld [tilespmem:s29+$0x12980]  }
0x129: {  	v0 =	vadd.f32 v53, v0  }
0x12a: {  	v56 =	vld [tilespmem:s29+$0x12A00]  }
0x12b: {  	v0 =	vadd.f32 v54, v0  }
0x12c: {  	v57 =	vld [tilespmem:s29+$0x12A80]  }
0x12d: {  	v0 =	vadd.f32 v55, v0  }
0x12e: {  	v58 =	vld [tilespmem:s29+$0x12B00]  }
0x12f: {  	v0 =	vadd.f32 v56, v0  }
0x130: {  	v59 =	vld [tilespmem:s29+$0x12B80]  }
0x131: {  	v0 =	vadd.f32 v57, v0  }
0x132: {  	v60 =	vld [tilespmem:s29+$0x12C00]  }
0x133: {  	s30 =	sadd.s32 $0x0, s7;
	v0 =	vadd.f32 v58, v0  }
0x134: {  	s31 =	sand.u32 $0x7F80, s30;
	v61 =	vld [tilespmem:s29+$0x12C80]  }
0x135: {  	s11 =	sor.u32 s28, s31;
	v0 =	vadd.f32 v59, v0  }
0x136: {  	v62 =	vld [tilespmem:s11+$0xC500]  }
0x137: {  	v0 =	vadd.f32 v60, v0;
	_ =	sdelay $0x1  }
0x138: {  	v0 =	vadd.f32 v61, v0;
	_ =	sdelay $0x1  }
0x139: {  	v63 =	vld [tilespmem:$0x13F80];
	v0 =	vadd.f32 v0, v62;
	_ =	sdelay $0x1  }
0x13a: {  	v0 =	vmul.f32 v0, v62  }
0x13b: {  	p0 =	slt.u32 s30, $0x2710  }
0x13c: {  	v0 =	vpsel !p0, $0x0, v0  }
0x13d: {  	s14 =	simm.s32 $0x80;
	s12 =	simm.s32 $0x10;
	v2 =	vadd.f32 v0, v63  }
0x13e: {  	s15 =	sand.u32 $0x1C00, s14;
	s13 =	sand.u32 $0x70, s12;
	v0 =	vmul.f32 v0, v62  }
0x13f: {  	s11 =	simm.s32 $0x13D00;
	s15 =	sor.u32 s13, s15;
	[tilespmem:$0x13F80] =	vst v2  }
0x140: {  	s16 =	simm.s32 $0x20;
	s17 =	sadd.s32 $0x11500, s15;
	[tilespmem:s11+$0x0] =	vst v0  }
.LBB2_11:
0x141: {  	p0 =	sne.s32 s16, $0x270;
	v0 =	vld [tilespmem:s17+$0x80]  }
0x142: {  	v1 =	vld [tilespmem:s15+$0x11500];
	_ =	sdelay $0x1  }
0x143: {  	v2 =	vld [tilespmem:s17+$0x100];
	_ =	sdelay $0x1  }
0x144: {  	v3 =	vld [tilespmem:s17+$0x180]  }
0x145: {  	v0 =	vadd.f32 v0, v1  }
0x146: {  	v1 =	vld [tilespmem:s17+$0x200]  }
0x147: {  	v0 =	vadd.f32 v2, v0  }
0x148: {  	v2 =	vld [tilespmem:s17+$0x280]  }
0x149: {  	v0 =	vadd.f32 v3, v0  }
0x14a: {  	v3 =	vld [tilespmem:s17+$0x300]  }
0x14b: {  	v0 =	vadd.f32 v1, v0  }
0x14c: {  	v1 =	vld [tilespmem:s17+$0x380]  }
0x14d: {  	v0 =	vadd.f32 v2, v0  }
0x14e: {  	v2 =	vld [tilespmem:s15+$0x12900]  }
0x14f: {  	v0 =	vadd.f32 v3, v0  }
0x150: {  	v3 =	vld [tilespmem:s15+$0x12980]  }
0x151: {  	v0 =	vadd.f32 v1, v0  }
0x152: {  	v1 =	vld [tilespmem:s15+$0x12A00]  }
0x153: {  	v0 =	vadd.f32 v2, v0  }
0x154: {  	v2 =	vld [tilespmem:s15+$0x12A80]  }
0x155: {  	v0 =	vadd.f32 v3, v0  }
0x156: {  	v3 =	vld [tilespmem:s15+$0x12B00]  }
0x157: {  	v0 =	vadd.f32 v1, v0  }
0x158: {  	v1 =	vld [tilespmem:s15+$0x12B80]  }
0x159: {  	v0 =	vadd.f32 v2, v0  }
0x15a: {  	v2 =	vld [tilespmem:s15+$0x12C00]  }
0x15b: {  	s17 =	sadd.s32 s12, s7;
	s12 =	smov.u32 s16;
	v0 =	vadd.f32 v3, v0  }
0x15c: {  	v3 =	vld [tilespmem:s15+$0x12C80];
	s15 =	sand.u32 $0x7F80, s17  }
0x15d: {  	v0 =	vadd.f32 v1, v0;
	s13 =	sor.u32 s13, s15  }
0x15e: {  	v1 =	vld [tilespmem:s13+$0xC500]  }
0x15f: {  	v0 =	vadd.f32 v2, v0;
	_ =	sdelay $0x1  }
0x160: {  	v0 =	vadd.f32 v3, v0;
	_ =	sdelay $0x1  }
0x161: {  	v0 =	vadd.f32 v0, v1;
	v2 =	vld [tilespmem:$0x13F80];
	_ =	sdelay $0x1  }
0x162: {  	v0 =	vmul.f32 v0, v1  }
0x163: {  	p1 =	slt.u32 s17, $0x2710  }
.Ltmp5:
0x164: {  	v0 =	vpsel !p1, $0x0, v0;
	(pc) =	sbr.rel @p0 .LBB2_11-.Ltmp5, $4  }
0x165: {  	s14 =	sadd.s32 $0x80, s14;
	v2 =	vadd.f32 v0, v2;
	v0 =	vmul.f32 v0, v1  }
0x166: {  	s15 =	sand.u32 $0x1C00, s14;
	s13 =	sand.u32 $0x70, s16  }
0x167: {  	s11 =	sadd.s32 $0x10, s11;
	s15 =	sor.u32 s13, s15;
	[tilespmem:$0x13F80] =	vst v2  }
0x168: {  	s16 =	sadd.s32 $0x10, s16;
	s17 =	sadd.s32 $0x11500, s15;
	[tilespmem:s11+$0x0] =	vst v0  }
0x169: {  	v0 =	vld [tilespmem:s17+$0x80]  }
0x16a: {  	v1 =	vld [tilespmem:s15+$0x11500];
	_ =	sdelay $0x1  }
0x16b: {  	v2 =	vld [tilespmem:s17+$0x100];
	_ =	sdelay $0x1  }
0x16c: {  	v3 =	vld [tilespmem:s17+$0x180]  }
0x16d: {  	v0 =	vadd.f32 v0, v1  }
0x16e: {  	v1 =	vld [tilespmem:s17+$0x200]  }
0x16f: {  	v0 =	vadd.f32 v2, v0  }
0x170: {  	v2 =	vld [tilespmem:s17+$0x280]  }
0x171: {  	v0 =	vadd.f32 v3, v0  }
0x172: {  	v3 =	vld [tilespmem:s17+$0x300]  }
0x173: {  	v0 =	vadd.f32 v1, v0  }
0x174: {  	v1 =	vld [tilespmem:s17+$0x380]  }
0x175: {  	v0 =	vadd.f32 v2, v0  }
0x176: {  	v2 =	vld [tilespmem:s15+$0x12900]  }
0x177: {  	v0 =	vadd.f32 v3, v0  }
0x178: {  	v3 =	vld [tilespmem:s15+$0x12980]  }
0x179: {  	v0 =	vadd.f32 v1, v0  }
0x17a: {  	v1 =	vld [tilespmem:s15+$0x12A00]  }
0x17b: {  	v0 =	vadd.f32 v2, v0  }
0x17c: {  	v2 =	vld [tilespmem:s15+$0x12A80]  }
0x17d: {  	v0 =	vadd.f32 v3, v0  }
0x17e: {  	v3 =	vld [tilespmem:s15+$0x12B00]  }
0x17f: {  	v0 =	vadd.f32 v1, v0  }
0x180: {  	v1 =	vld [tilespmem:s15+$0x12B80]  }
0x181: {  	v0 =	vadd.f32 v2, v0  }
0x182: {  	v2 =	vld [tilespmem:s15+$0x12C00]  }
0x183: {  	s12 =	sadd.s32 s12, s7;
	v0 =	vadd.f32 v3, v0  }
0x184: {  	s14 =	sand.u32 $0x7F80, s12;
	v3 =	vld [tilespmem:s15+$0x12C80]  }
0x185: {  	s13 =	sor.u32 s13, s14;
	v0 =	vadd.f32 v1, v0  }
0x186: {  	v1 =	vld [tilespmem:s13+$0xC500]  }
0x187: {  	v0 =	vadd.f32 v2, v0;
	_ =	sdelay $0x1  }
0x188: {  	v0 =	vadd.f32 v3, v0;
	_ =	sdelay $0x1  }
0x189: {  	v2 =	vld [tilespmem:$0x13F80];
	v0 =	vadd.f32 v0, v1;
	_ =	sdelay $0x1  }
0x18a: {  	v0 =	vmul.f32 v0, v1  }
0x18b: {  	p0 =	slt.u32 s12, $0x2710  }
0x18c: {  	v0 =	vpsel !p0, $0x0, v0  }
0x18d: {  	s8 =	sshll.u32 s8, $0xA;
	v2 =	vadd.f32 v0, v2  }
0x18e: {  	s8 =	sor.u32 s9, s8;
	v0 =	vmul.f32 v0, v1  }
0x18f: {  	s25 =	sadd.s32 $0x10, s11;
	s26 =	simm.s32 $0x0;
	s8 =	sshrl.u32 s8, $0x3;
	[tilespmem:$0x13F80] =	vst v2  }
0x190: {  	s28 =	simm.s32 $0x13F80;
	s29 =	simm.s32 $0x1;
	s6 =	sadd.s32 s6, s8;
	[tilespmem:s25+$0x0] =	vst v0  }
0x191: {  	[hbm4b:s6+s26] =	stream.linear.scatter [tilespmem:s28], [sflag:$0x1], $0x80, $0x38;
	[tilespmem:$0x16A80] =	vst v63  }
0x192: {  	_ =	swait.ge [sflag:s29], $0x80  }
0x193: {  	[sflag:s29] =	ssyncset.done $0x0  }
0x194: {  	s30 =	simm.s32 $0x13D00;
	[sflag:s29] =	ssyncadd.s32 $0xFFFFFF80  }
0x195: {  	[spmem:s10] =	stream.linear.scatter [tilespmem:s30], [sflag:$0x1], $0x280, $0x38;
	[tilespmem:$0x16A80] =	vst v63  }
0x196: {  	_ =	swait.ge [sflag:s29], $0x280  }
0x197: {  	[sflag:s29] =	ssyncset.done $0x0  }
0x198: {  	[sflag:s29] =	ssyncadd.s32 $0xFFFFFD80  }
0x199: {  	s31 =	simm.s32 $0xED00;
	[bflag:$0x0] =	sbarrier.arrive $0xFFFF  }
0x19a: {  	[tilespmem:s31], [sflag:$0x1] =	stream.linear.gather [spmem:s3], $0x2800, $0x38;
	[tilespmem:$0x16A80] =	vst v63  }
0x19b: {  	_ =	swait.ge [sflag:s29], $0x2800  }
0x19c: {  	[sflag:s29] =	ssyncset.done $0x0  }
0x19d: {  	v0 =	vimm.f32 $0.0e+00;
	s6 =	simm.s32 $0x200;
	s3 =	simm.s32 $0x0;
	[sflag:s29] =	ssyncadd.s32 $0xFFFFD800  }
.LBB2_13:
0x19e: {  	p0 =	sne.s32 s6, $0x9E00;
	[tilespmem:s3+$0x9D70] =	vst v0  }
0x19f: {  	[tilespmem:s3+$0x9D00] =	vst v0  }
0x1a0: {  	[tilespmem:s3+$0x9D10] =	vst v0  }
.Ltmp6:
0x1a1: {  	[tilespmem:s3+$0x9D20] =	vst v0;
	(pc) =	sbr.rel @p0 .LBB2_13-.Ltmp6, $4  }
0x1a2: {  	[tilespmem:s3+$0x9D30] =	vst v0  }
0x1a3: {  	[tilespmem:s3+$0x9D40] =	vst v0  }
0x1a4: {  	[tilespmem:s3+$0x9D50] =	vst v0  }
0x1a5: {  	[tilespmem:s3+$0x9D60] =	vst v0;
	s3 =	sshra.s32 s6, $0x2;
	s6 =	sadd.s32 $0x200, s6  }
0x1a6: {  	[tilespmem:s3+$0x9D70] =	vst v0  }
0x1a7: {  	[tilespmem:s3+$0x9D00] =	vst v0  }
0x1a8: {  	[tilespmem:s3+$0x9D10] =	vst v0  }
0x1a9: {  	[tilespmem:s3+$0x9D20] =	vst v0  }
0x1aa: {  	[tilespmem:s3+$0x9D30] =	vst v0  }
0x1ab: {  	[tilespmem:s3+$0x9D40] =	vst v0  }
0x1ac: {  	[tilespmem:s3+$0x9D50] =	vst v0  }
0x1ad: {  	[tilespmem:s3+$0x9D60] =	vst v0;
	s3 =	simm.s32 $0x0;
	s6 =	simm.s32 $0xED00;
	s8 =	simm.s32 $0x9D00  }
.LBB2_15:
0x1ae: {  	s9 =	sshra.s32 s3, $0x2  }
0x1af: {  	v0 =	vld [tilespmem:s9+$0x4E80];
	_ =	sdelay $0x4  }
0x1b0: {  	v1 =	vld [tilespmem:s9+$0x0];
	_ =	sdelay $0x2  }
0x1b1: {  	v0 =	vld.idx.msk [tilespmem:v0+s6+$0x0], $0xffff;
	_ =	sdelay $0x4  }
0x1b2: {  	[tilespmem:v1+s8+$0x0] =	vst.idx.add.f32.msk $0xffff, v0  }
0x1b3: {  	v0 =	vld [tilespmem:s9+$0x4E90];
	_ =	sdelay $0x4  }
0x1b4: {  	v1 =	vld [tilespmem:s9+$0x10];
	_ =	sdelay $0x2  }
0x1b5: {  	v0 =	vld.idx.msk [tilespmem:v0+s6+$0x0], $0xffff;
	_ =	sdelay $0x4  }
0x1b6: {  	[tilespmem:v1+s8+$0x0] =	vst.idx.add.f32.msk $0xffff, v0  }
0x1b7: {  	v0 =	vld [tilespmem:s9+$0x4EA0];
	_ =	sdelay $0x4  }
0x1b8: {  	v1 =	vld [tilespmem:s9+$0x20];
	_ =	sdelay $0x2  }
0x1b9: {  	v0 =	vld.idx.msk [tilespmem:v0+s6+$0x0], $0xffff;
	_ =	sdelay $0x4  }
0x1ba: {  	[tilespmem:v1+s8+$0x0] =	vst.idx.add.f32.msk $0xffff, v0  }
0x1bb: {  	v0 =	vld [tilespmem:s9+$0x4EB0];
	_ =	sdelay $0x4  }
0x1bc: {  	v1 =	vld [tilespmem:s9+$0x30];
	_ =	sdelay $0x2  }
0x1bd: {  	v0 =	vld.idx.msk [tilespmem:v0+s6+$0x0], $0xffff;
	_ =	sdelay $0x4  }
0x1be: {  	[tilespmem:v1+s8+$0x0] =	vst.idx.add.f32.msk $0xffff, v0  }
0x1bf: {  	v0 =	vld [tilespmem:s9+$0x4EC0];
	_ =	sdelay $0x4  }
0x1c0: {  	v1 =	vld [tilespmem:s9+$0x40];
	_ =	sdelay $0x2  }
0x1c1: {  	p0 =	sne.s32 s3, $0x13740;
	v0 =	vld.idx.msk [tilespmem:v0+s6+$0x0], $0xffff  }
.Ltmp7:
0x1c2: {  	_ = 	snop;
	(pc) =	sbr.rel @p0 .LBB2_15-.Ltmp7, $2  }
0x1c3: {  	_ =	sdelay $0x2  }
0x1c4: {  	s3 =	sadd.s32 $0x140, s3;
	[tilespmem:v1+s8+$0x0] =	vst.idx.add.f32.msk $0xffff, v0  }
0x1c5: {  	s3 =	simm.s32 $0x80  }
0x1c6: {  	s6 =	simm.s32 $0x400;
	s8 =	simm.s32 $0x9D00;
	s21 =	simm.s32 $0x1  }
0x1c7: {  	[spmem:s4] =	stream.strided.scatter [tilespmem:s8], [sflag:$0x1], $0x2800, s6, s3, $0x38;
	[tilespmem:$0x16A80] =	vst v63  }
0x1c8: {  	_ =	swait.ge [sflag:s21], $0x2800  }
0x1c9: {  	[sflag:s21] =	ssyncset.done $0x0  }
0x1ca: {  	s22 =	simm.s32 $0x1400;
	s23 =	simm.s32 $0x14000;
	[sflag:s21] =	ssyncadd.s32 $0xFFFFD800  }
0x1cb: {  	s24 =	simm.s32 $0x11500;
	s25 =	simm.s32 $0x0;
	[bflag:$0x0] =	sbarrier.arrive $0xFFFF  }
0x1cc: {  	[tilespmem:s24], [sflag:$0x1] =	stream.strided.gather [spmem:s5], $0x2800, s23, s22, $0x38;
	[tilespmem:$0x16A80] =	vst v63  }
0x1cd: {  	s26 =	sand.u32 $0x70, s25;
	s4 =	sand.u32 $0x1C00, s25;
	_ =	swait.ge [sflag:s21], $0x2800  }
0x1ce: {  	s4 =	sor.u32 s26, s4;
	[sflag:s21] =	ssyncset.done $0x0  }
0x1cf: {  	s28 =	sadd.s32 $0x11500, s4;
	[sflag:s21] =	ssyncadd.s32 $0xFFFFD800  }
0x1d0: {  	v0 =	vld [tilespmem:s28+$0x80]  }
0x1d1: {  	v1 =	vld [tilespmem:s4+$0x11500];
	_ =	sdelay $0x1  }
0x1d2: {  	v2 =	vld [tilespmem:s28+$0x100];
	_ =	sdelay $0x1  }
0x1d3: {  	v3 =	vld [tilespmem:s28+$0x180]  }
0x1d4: {  	v0 =	vadd.f32 v0, v1  }
0x1d5: {  	v1 =	vld [tilespmem:s28+$0x200]  }
0x1d6: {  	v0 =	vadd.f32 v2, v0  }
0x1d7: {  	v2 =	vld [tilespmem:s28+$0x280]  }
0x1d8: {  	v0 =	vadd.f32 v3, v0  }
0x1d9: {  	v3 =	vld [tilespmem:s28+$0x300]  }
0x1da: {  	v0 =	vadd.f32 v1, v0  }
0x1db: {  	v1 =	vld [tilespmem:s28+$0x380]  }
0x1dc: {  	v0 =	vadd.f32 v2, v0  }
0x1dd: {  	v2 =	vld [tilespmem:s4+$0x12900]  }
0x1de: {  	v0 =	vadd.f32 v3, v0  }
0x1df: {  	v3 =	vld [tilespmem:s4+$0x12980]  }
0x1e0: {  	v0 =	vadd.f32 v1, v0  }
0x1e1: {  	v1 =	vld [tilespmem:s4+$0x12A00]  }
0x1e2: {  	v0 =	vadd.f32 v2, v0  }
0x1e3: {  	v2 =	vld [tilespmem:s4+$0x12A80]  }
0x1e4: {  	v0 =	vadd.f32 v3, v0  }
0x1e5: {  	v3 =	vld [tilespmem:s4+$0x12B00]  }
0x1e6: {  	v0 =	vadd.f32 v1, v0  }
0x1e7: {  	v1 =	vld [tilespmem:s4+$0x12B80]  }
0x1e8: {  	v0 =	vadd.f32 v2, v0  }
0x1e9: {  	v2 =	vld [tilespmem:s4+$0x12C00]  }
0x1ea: {  	s29 =	sadd.s32 $0x0, s7;
	v0 =	vadd.f32 v3, v0  }
0x1eb: {  	s30 =	sand.u32 $0x7F80, s29;
	v3 =	vld [tilespmem:s4+$0x12C80]  }
0x1ec: {  	s4 =	sor.u32 s26, s30;
	v0 =	vadd.f32 v1, v0  }
0x1ed: {  	v1 =	vld [tilespmem:s4+$0xED00]  }
0x1ee: {  	v0 =	vadd.f32 v2, v0  }
0x1ef: {  	v2 =	vld [tilespmem:s4+$0xC500]  }
0x1f0: {  	v0 =	vadd.f32 v3, v0;
	_ =	sdelay $0x1  }
0x1f1: {  	v0 =	vadd.f32 v1, v0;
	_ =	sdelay $0x1  }
0x1f2: {  	s8 =	simm.s32 $0x80;
	s4 =	simm.s32 $0x10;
	v0 =	vmul.f32 v0, v2  }
0x1f3: {  	p0 =	slt.u32 s29, $0x2710;
	s31 =	sand.u32 $0x1C00, s8;
	s5 =	sand.u32 $0x70, s4  }
0x1f4: {  	s9 =	simm.s32 $0x20;
	s3 =	simm.s32 $0x13D00;
	s6 =	sor.u32 s5, s31;
	v0 =	vpsel !p0, $0x0, v0  }
.LBB2_17:
0x1f5: {  	p0 =	sne.s32 s9, $0x270;
	s10 =	sadd.s32 $0x11500, s6;
	[tilespmem:s3+$0x0] =	vst v0  }
0x1f6: {  	v0 =	vld [tilespmem:s10+$0x80]  }
0x1f7: {  	v1 =	vld [tilespmem:s6+$0x11500];
	_ =	sdelay $0x1  }
0x1f8: {  	v2 =	vld [tilespmem:s10+$0x100];
	_ =	sdelay $0x1  }
0x1f9: {  	v3 =	vld [tilespmem:s10+$0x180]  }
0x1fa: {  	v0 =	vadd.f32 v0, v1  }
0x1fb: {  	v1 =	vld [tilespmem:s10+$0x200]  }
0x1fc: {  	v0 =	vadd.f32 v2, v0  }
0x1fd: {  	v2 =	vld [tilespmem:s10+$0x280]  }
0x1fe: {  	v0 =	vadd.f32 v3, v0  }
0x1ff: {  	v3 =	vld [tilespmem:s10+$0x300]  }
0x200: {  	v0 =	vadd.f32 v1, v0  }
0x201: {  	v1 =	vld [tilespmem:s10+$0x380]  }
0x202: {  	v0 =	vadd.f32 v2, v0  }
0x203: {  	v2 =	vld [tilespmem:s6+$0x12900]  }
0x204: {  	v0 =	vadd.f32 v3, v0  }
0x205: {  	v3 =	vld [tilespmem:s6+$0x12980]  }
0x206: {  	v0 =	vadd.f32 v1, v0  }
0x207: {  	v1 =	vld [tilespmem:s6+$0x12A00]  }
0x208: {  	v0 =	vadd.f32 v2, v0  }
0x209: {  	v2 =	vld [tilespmem:s6+$0x12A80]  }
0x20a: {  	v0 =	vadd.f32 v3, v0  }
0x20b: {  	v3 =	vld [tilespmem:s6+$0x12B00]  }
0x20c: {  	v0 =	vadd.f32 v1, v0  }
0x20d: {  	v1 =	vld [tilespmem:s6+$0x12B80]  }
0x20e: {  	v0 =	vadd.f32 v2, v0  }
0x20f: {  	v2 =	vld [tilespmem:s6+$0x12C00]  }
0x210: {  	s10 =	sadd.s32 s4, s7;
	s4 =	smov.u32 s9;
	v0 =	vadd.f32 v3, v0  }
0x211: {  	v3 =	vld [tilespmem:s6+$0x12C80];
	s6 =	sand.u32 $0x7F80, s10  }
0x212: {  	v0 =	vadd.f32 v1, v0;
	s5 =	sor.u32 s5, s6  }
0x213: {  	v1 =	vld [tilespmem:s5+$0xED00]  }
0x214: {  	v0 =	vadd.f32 v2, v0  }
0x215: {  	v2 =	vld [tilespmem:s5+$0xC500]  }
0x216: {  	v0 =	vadd.f32 v3, v0;
	_ =	sdelay $0x1  }
.Ltmp8:
0x217: {  	v0 =	vadd.f32 v1, v0;
	(pc) =	sbr.rel @p0 .LBB2_17-.Ltmp8, $4  }
0x218: {  	_ = 	snop  }
0x219: {  	s8 =	sadd.s32 $0x80, s8;
	v0 =	vmul.f32 v0, v2  }
0x21a: {  	p1 =	slt.u32 s10, $0x2710;
	s6 =	sand.u32 $0x1C00, s8;
	s5 =	sand.u32 $0x70, s9  }
0x21b: {  	s3 =	sadd.s32 $0x10, s3;
	s9 =	sadd.s32 $0x10, s9;
	s6 =	sor.u32 s5, s6;
	v0 =	vpsel !p1, $0x0, v0  }
0x21c: {  	s8 =	sadd.s32 $0x11500, s6;
	[tilespmem:s3+$0x0] =	vst v0  }
0x21d: {  	v0 =	vld [tilespmem:s8+$0x80]  }
0x21e: {  	v1 =	vld [tilespmem:s6+$0x11500];
	_ =	sdelay $0x1  }
0x21f: {  	v2 =	vld [tilespmem:s8+$0x100];
	_ =	sdelay $0x1  }
0x220: {  	v3 =	vld [tilespmem:s8+$0x180]  }
0x221: {  	v0 =	vadd.f32 v0, v1  }
0x222: {  	v50 =	vld [tilespmem:s8+$0x200]  }
0x223: {  	v0 =	vadd.f32 v2, v0  }
0x224: {  	v51 =	vld [tilespmem:s8+$0x280]  }
0x225: {  	v0 =	vadd.f32 v3, v0  }
0x226: {  	v52 =	vld [tilespmem:s8+$0x300]  }
0x227: {  	v0 =	vadd.f32 v50, v0  }
0x228: {  	v53 =	vld [tilespmem:s8+$0x380]  }
0x229: {  	v0 =	vadd.f32 v51, v0  }
0x22a: {  	v54 =	vld [tilespmem:s6+$0x12900]  }
0x22b: {  	v0 =	vadd.f32 v52, v0  }
0x22c: {  	v55 =	vld [tilespmem:s6+$0x12980]  }
0x22d: {  	v0 =	vadd.f32 v53, v0  }
0x22e: {  	v56 =	vld [tilespmem:s6+$0x12A00]  }
0x22f: {  	v0 =	vadd.f32 v54, v0  }
0x230: {  	v57 =	vld [tilespmem:s6+$0x12A80]  }
0x231: {  	v0 =	vadd.f32 v55, v0  }
0x232: {  	v58 =	vld [tilespmem:s6+$0x12B00]  }
0x233: {  	v0 =	vadd.f32 v56, v0  }
0x234: {  	v59 =	vld [tilespmem:s6+$0x12B80]  }
0x235: {  	v0 =	vadd.f32 v57, v0  }
0x236: {  	v60 =	vld [tilespmem:s6+$0x12C00]  }
0x237: {  	s4 =	sadd.s32 s4, s7;
	v0 =	vadd.f32 v58, v0  }
0x238: {  	v61 =	vld [tilespmem:s6+$0x12C80];
	s25 =	sand.u32 $0x7F80, s4  }
0x239: {  	s5 =	sor.u32 s5, s25;
	v0 =	vadd.f32 v59, v0  }
0x23a: {  	v62 =	vld [tilespmem:s5+$0xED00]  }
0x23b: {  	v0 =	vadd.f32 v60, v0  }
0x23c: {  	v63 =	vld [tilespmem:s5+$0xC500]  }
0x23d: {  	v0 =	vadd.f32 v61, v0;
	_ =	sdelay $0x1  }
0x23e: {  	v0 =	vadd.f32 v62, v0;
	_ =	sdelay $0x1  }
0x23f: {  	v0 =	vmul.f32 v0, v63  }
0x240: {  	p0 =	slt.u32 s4, $0x2710  }
0x241: {  	s26 =	sadd.s32 $0x10, s3;
	s28 =	sshrl.u32 s7, $0x3;
	s29 =	simm.s32 $0x0;
	v0 =	vpsel !p0, $0x0, v0  }
0x242: {  	s30 =	simm.s32 $0x13D00;
	s31 =	simm.s32 $0x1;
	s2 =	sadd.s32 s2, s28;
	[tilespmem:s26+$0x0] =	vst v0  }
0x243: {  	[hbm4b:s2+s29] =	stream.linear.scatter [tilespmem:s30], [sflag:$0x1], $0x280, $0x38;
	[tilespmem:$0x16A80] =	vst v63  }
0x244: {  	_ =	swait.ge [sflag:s31], $0x280  }
0x245: {  	[sflag:s31] =	ssyncset.done $0x0  }
0x246: {  	[sflag:s31] =	ssyncadd.s32 $0xFFFFFD80  }
0x247: {  	_ =	sfence.sel $0x180000  }
0x248: {  	[bflag:$0x0] =	sbarrier.arrive $0xFFFF  }
0x249: {  	p0 =	sne.s32 s0, $0x0;
	_ =	strace $0x90000047  }
0x24a: {  	s0 =	sadd.s32 @!p0 $0x100000, s1;
	[bflag:$0x2] =	sbarrier.arrive $0xFFFF  }
0x24b: {  	[sflag:s0] =	ssyncadd.tile.s32 @!p0 $0x1;
	_ =	shalt  }
.Lfunc_end2:
_tile_overlayer_lowered:
.L_overlay_start_2:
0x24c: {  	(tag) =	ssettag $0x2  }
0x24d: {  	s0 =	rddreg [dreg:$0x0];
	s2 =	stileid.u32  }
0x24e: {  	s1 =	rddreg [dreg:$0x1];
	p0 =	sne.s32 s2, $0x0  }
0x24f: {  	s3 =	rddreg [dreg:$0x2];
	[bflag:$0x3] =	sbarrier.arrive $0xFFFF;
	s2 =	simm.s32 @!p0 $0x1C01  }
0x250: {  	[timem:s3], [sflag:s2] =	dma.local @!p0 [hbm:s0], s1  }
0x251: {  	s0 =	simm.s32 @!p0 $0x1  }
0x252: {  	_ =	swait.ge @!p0 [sflag:s0], s1  }
0x253: {  	s1 =	ssub.s32 @!p0 $0x0, s1;
	[sflag:s0] =	ssyncset.done @!p0 $0x0  }
0x254: {  	[sflag:s0] =	ssyncadd.s32 @!p0 s1  }
0x255: {  	[bflag:$0x3] =	sbarrier.arrive $0xFFFF  }
0x256: {  	_ =	shalt  }

</sc_bundles>
